<compile_context>
chip_gen: v7x
topology: tpu7x:2x2x1
jax: 0.10.2.dev20260603
libtpu: 0.0.44.dev20260713+nightly
codegen_flags: <defaults>
</compile_context>

<pallas_src>
import functools

import jax
import jax.numpy as jnp
from jax import lax
from jax.experimental import pallas as pl
from jax.experimental.pallas import tpu as pltpu
from jax.experimental.pallas import tpu_sc as plsc

NC, NS, L = 2, 16, 16
CHUNK = 128
HD = 128


def _sc_mesh():
    return plsc.VectorSubcoreMesh(core_axis_name="c", subcore_axis_name="s")




def _make_deg_kernel(n_pad, k_chunks):
    rps = n_pad // NS

    @functools.partial(
        pl.kernel,
        out_type=jax.ShapeDtypeStruct((NC, n_pad, HD), jnp.float32),
        mesh=_sc_mesh(),
        scratch_types=[
            pltpu.VMEM((k_chunks, CHUNK), jnp.int32),
            pltpu.VMEM((CHUNK, HD), jnp.float32),
            pltpu.VMEM_SHARED((n_pad, HD), jnp.float32),
            pltpu.SemaphoreType.DMA,
        ],
    )
    def deg_kernel(dst_hbm, ones_hbm, zeros_hbm, out_hbm,
                   dst_v, ones_v, acc, sem):
        c = lax.axis_index("c")
        s = lax.axis_index("s")
        pltpu.sync_copy(dst_hbm.at[s], dst_v)
        pltpu.sync_copy(ones_hbm, ones_v)
        pltpu.sync_copy(zeros_hbm, acc.at[pl.ds(s * rps, rps)])
        plsc.subcore_barrier()

        @pl.loop(0, k_chunks)
        def _(j):
            pltpu.async_copy(ones_v, acc.at[dst_v.at[j]], sem, add=True)

        @pl.loop(0, k_chunks)
        def _(j):
            pltpu.make_async_copy(ones_v, acc.at[dst_v.at[j]], sem).wait()

        plsc.subcore_barrier()
        pltpu.sync_copy(acc.at[pl.ds(s * rps, rps)],
                        out_hbm.at[c, pl.ds(s * rps, rps)])

    return deg_kernel


def _make_agg_kernel(n_pad, k_chunks):
    rps = n_pad // NS
    kb = k_chunks

    @functools.partial(
        pl.kernel,
        out_type=jax.ShapeDtypeStruct((NC, n_pad, HD), jnp.float32),
        mesh=_sc_mesh(),
        scratch_types=[
            pltpu.VMEM((kb, CHUNK // 2), jnp.int32),
            pltpu.VMEM((kb, CHUNK // 2), jnp.int32),
            pltpu.VMEM((kb, CHUNK), jnp.int32),
            pltpu.VMEM((CHUNK, HD), jnp.float32),
            pltpu.VMEM_SHARED((n_pad, HD), jnp.float32),
            pltpu.SemaphoreType.DMA,
            pltpu.SemaphoreType.DMA,
            pltpu.SemaphoreType.DMA,
        ],
    )
    def agg_kernel(g_hbm, srcu_hbm, srcl_hbm, dst_hbm, zeros_hbm, out_hbm,
                   srcu_v, srcl_v, dst_v, rows_v, acc, semu, seml, sems):
        c = lax.axis_index("c")
        s = lax.axis_index("s")
        pltpu.sync_copy(srcu_hbm.at[s], srcu_v)
        pltpu.sync_copy(srcl_hbm.at[s], srcl_v)
        pltpu.sync_copy(dst_hbm.at[s], dst_v)
        pltpu.sync_copy(zeros_hbm, acc.at[pl.ds(s * rps, rps)])
        plsc.subcore_barrier()

        up = rows_v.at[pl.ds(0, CHUNK // 2)]
        lo = rows_v.at[pl.ds(CHUNK // 2, CHUNK // 2)]

        @pl.loop(0, kb)
        def _(j):
            pltpu.async_copy(g_hbm.at[c].at[srcu_v.at[j]], up, semu)
            pltpu.async_copy(g_hbm.at[c].at[srcl_v.at[j]], lo, seml)
            pltpu.make_async_copy(g_hbm.at[c].at[srcu_v.at[j]],
                                  up, semu).wait()
            pltpu.make_async_copy(g_hbm.at[c].at[srcl_v.at[j]],
                                  lo, seml).wait()
            pltpu.async_copy(rows_v, acc.at[dst_v.at[j]], sems,
                             add=True).wait()

        plsc.subcore_barrier()
        pltpu.sync_copy(acc.at[pl.ds(s * rps, rps)],
                        out_hbm.at[c, pl.ds(s * rps, rps)])

    return agg_kernel


def _dis_from_deg(deg_ref):
    degsum = deg_ref[0] + 1.0
    return lax.rsqrt(degsum[:, 0:1])


def _mm1_body(x_ref, deg_ref, w_ref, g_ref):
    dis = _dis_from_deg(deg_ref)
    h = jnp.dot(x_ref[...], w_ref[...], preferred_element_type=jnp.float32)
    g = h * dis
    g_ref[0] = g[:, :HD]
    g_ref[1] = g[:, HD:]


def _mid_body(acc_ref, g_ref, deg_ref, b_ref, w_ref, gout_ref):
    dis = _dis_from_deg(deg_ref)
    m = jnp.concatenate([acc_ref[0] + g_ref[0], acc_ref[1] + g_ref[1]], axis=1)
    h = jnp.maximum(m * dis + b_ref[...], 0.0)
    h2 = jnp.dot(h, w_ref[...], preferred_element_type=jnp.float32)
    g2 = h2 * dis
    gout_ref[0] = g2[:, :HD]
    gout_ref[1] = g2[:, HD:]


def _head_body(acc_ref, g_ref, deg_ref, b_ref, wf_ref, bf_ref, wo_ref, bo_ref,
               y_ref):
    dis = _dis_from_deg(deg_ref)
    m = jnp.concatenate([acc_ref[0] + g_ref[0], acc_ref[1] + g_ref[1]], axis=1)
    h = jnp.maximum(m * dis + b_ref[...], 0.0)
    f = jnp.maximum(
        jnp.dot(h, wf_ref[...], preferred_element_type=jnp.float32)
        + bf_ref[...], 0.0)
    y_ref[...] = (jnp.dot(f, wo_ref[...], preferred_element_type=jnp.float32)
                  + bo_ref[...])


def kernel(x, edge_index, W_g1, b_g1, W_g2, b_g2, W_f1, b_f1, W_out, b_out):
    n, d = x.shape
    e = edge_index.shape[1]
    n_pad = -(-(n + 1) // 1024) * 1024
    k_chunks = -(-e // (NS * CHUNK))
    e_pad = NS * k_chunks * CHUNK

    src = jnp.concatenate(
        [edge_index[0], jnp.full((e_pad - e,), n, jnp.int32)]).reshape(
            NS, k_chunks, CHUNK)
    dst = jnp.concatenate(
        [edge_index[1], jnp.full((e_pad - e,), n, jnp.int32)]).reshape(
            NS, k_chunks, CHUNK)
    x_p = jnp.pad(x, ((0, n_pad - n), (0, 0)))

    rps = n_pad // NS
    zeros_hd = jnp.zeros((rps, HD), jnp.float32)

    agg = _make_agg_kernel(n_pad, k_chunks)
    ones_rows = jnp.ones((CHUNK, HD), jnp.float32)
    deg = _make_deg_kernel(n_pad, k_chunks)(dst, ones_rows, zeros_hd)

    rb = 1024
    grid = (n_pad // rb,)
    f32 = jnp.float32

    half_spec = pl.BlockSpec((NC, rb, HD), lambda i: (0, i, 0))
    deg_spec = pl.BlockSpec((NC, rb, HD), lambda i: (0, i, 0))
    full_spec = lambda r, c: pl.BlockSpec((r, c), lambda i: (0, 0))

    g1 = pl.pallas_call(
        _mm1_body,
        grid=grid,
        in_specs=[
            pl.BlockSpec((rb, d), lambda i: (i, 0)),
            deg_spec,
            full_spec(d, d),
        ],
        out_specs=half_spec,
        out_shape=jax.ShapeDtypeStruct((NC, n_pad, HD), f32),
    )(x_p, deg, W_g1)

    srcu = src[:, :, :CHUNK // 2]
    srcl = src[:, :, CHUNK // 2:]
    acc1 = agg(g1, srcu, srcl, dst, zeros_hd)

    g2 = pl.pallas_call(
        _mid_body,
        grid=grid,
        in_specs=[
            half_spec,
            half_spec,
            deg_spec,
            full_spec(1, d),
            full_spec(d, d),
        ],
        out_specs=half_spec,
        out_shape=jax.ShapeDtypeStruct((NC, n_pad, HD), f32),
    )(acc1, g1, deg, b_g1.reshape(1, d), W_g2)

    acc2 = agg(g2, srcu, srcl, dst, zeros_hd)

    df = W_f1.shape[1]
    y = pl.pallas_call(
        _head_body,
        grid=grid,
        in_specs=[
            half_spec,
            half_spec,
            deg_spec,
            full_spec(1, d),
            full_spec(d, df),
            full_spec(1, df),
            full_spec(df, 1),
            full_spec(1, 1),
        ],
        out_specs=pl.BlockSpec((rb, 1), lambda i: (i, 0)),
        out_shape=jax.ShapeDtypeStruct((n_pad, 1), f32),
    )(acc2, g2, deg, b_g2.reshape(1, d), W_f1, b_f1.reshape(1, df),
      W_out, b_out.reshape(1, 1))

    return y[:n]

# --- scband reference (transcript-rebuilt; emitter-appended) ---
"""Pipeline reference for scband-simple-gnn-1760936591464 (READ-ONLY COPY).

The authoritative reference and input builder live on the scoring server;
editing this copy changes nothing except your own understanding.
"""

import jax, jax.numpy as jnp
import numpy as np

N = 10000
E = 160000
D = 256
GCN_DIMS = [256, 256]
FC_DIMS = [128]


def setup_inputs(seed: int = 0) -> dict:
    key = jax.random.key(seed)
    ks = jax.random.split(key, 16)
    x = jax.random.normal(ks[0], (N, D), dtype=jnp.float32)
    edge_index = jax.random.randint(ks[1], (2, E), 0, N, dtype=jnp.int32)
    # GCN layer weights (glorot-ish scaling)
    W_g1 = jax.random.normal(ks[2], (D, GCN_DIMS[0]), dtype=jnp.float32) * (1.0 / np.sqrt(D))
    b_g1 = jnp.zeros((GCN_DIMS[0],), dtype=jnp.float32)
    W_g2 = jax.random.normal(ks[3], (GCN_DIMS[0], GCN_DIMS[1]), dtype=jnp.float32) * (1.0 / np.sqrt(GCN_DIMS[0]))
    b_g2 = jnp.zeros((GCN_DIMS[1],), dtype=jnp.float32)
    # FC layers
    W_f1 = jax.random.normal(ks[4], (GCN_DIMS[1], FC_DIMS[0]), dtype=jnp.float32) * (1.0 / np.sqrt(GCN_DIMS[1]))
    b_f1 = jnp.zeros((FC_DIMS[0],), dtype=jnp.float32)
    W_out = jax.random.normal(ks[5], (FC_DIMS[0], 1), dtype=jnp.float32) * (1.0 / np.sqrt(FC_DIMS[0]))
    b_out = jnp.zeros((1,), dtype=jnp.float32)
    return {"x": x, "edge_index": edge_index, "W_g1": W_g1, "b_g1": b_g1, "W_g2": W_g2, "b_g2": b_g2, "W_f1": W_f1, "b_f1": b_f1, "W_out": W_out, "b_out": b_out}


def _gcn_conv(x, edge_index, W, b):
    # PyG GCNConv: h = x @ W; add self-loops; symmetric normalization; scatter-add; + bias
    h = x @ W
    src = edge_index[0]
    dst = edge_index[1]
    loop = jnp.arange(N, dtype=src.dtype)
    src = jnp.concatenate([src, loop])
    dst = jnp.concatenate([dst, loop])
    deg = jnp.zeros((N,), dtype=x.dtype).at[dst].add(1.0)
    deg_inv_sqrt = jnp.where(deg > 0, 1.0 / jnp.sqrt(deg), 0.0)
    norm = deg_inv_sqrt[src] * deg_inv_sqrt[dst]
    msg = norm[:, None] * jnp.take(h, src, axis=0)
    out = jax.ops.segment_sum(msg, dst, num_segments=N)
    return out + b


def reference(x, edge_index, W_g1, b_g1, W_g2, b_g2, W_f1, b_f1, W_out, b_out):
    h = _gcn_conv(x, edge_index, W_g1, b_g1)
    h = jax.nn.relu(h)
    h = _gcn_conv(h, edge_index, W_g2, b_g2)
    h = jax.nn.relu(h)
    h = h @ W_f1 + b_f1
    h = jax.nn.relu(h)
    h = h @ W_out + b_out
    return h

if __name__ == "__main__":
    import jax
    _d = setup_inputs()
    print(jax.jit(kernel)(*tuple(_d.values())))

</pallas_src>

<mosaic_0001>
#map = affine_map<(d0, d1) -> (0, 0, 0)>
#map1 = affine_map<(d0, d1) -> (0, 0)>
module attributes {stable_mosaic.version = 14 : i64} {
  func.func @deg_kernel(%arg0: i32, %arg1: i32, %arg2: memref<16x79x128xi32, #tpu.memory_space<hbm>>, %arg3: memref<128x128xf32, #tpu.memory_space<hbm>>, %arg4: memref<640x128xf32, #tpu.memory_space<hbm>>, %arg5: memref<2x10240x128xf32, #tpu.memory_space<hbm>>, %arg6: memref<79x128xi32, #tpu.memory_space<vmem>>, %arg7: memref<128x128xf32, #tpu.memory_space<vmem>>, %arg8: memref<10240x128xf32, #tpu.memory_space<vmem_shared>>, %arg9: memref<!tpu.dma_semaphore, #tpu.memory_space<semaphore_mem>>) attributes {dimension_semantics = [#tpu.dimension_semantics<core_parallel>, #tpu.dimension_semantics<subcore_parallel>], iteration_bounds = array<i64: 2, 16>, scalar_prefetch = 0 : i64, scratch_operands = 4 : i64, tpu.core_type = #tpu.core_type<sc_vector_subcore>, window_params = [{transform_indices = #map}, {transform_indices = #map1}, {transform_indices = #map1}, {transform_indices = #map}]} {
    "tpu.region"() ({
      %run_scoped3A = tpu.sem_alloc : memref<!tpu.dma_semaphore, #tpu.memory_space<semaphore_mem>>
      %dma_start3A = arith.constant 0 : i32
      %dma_start3A_15 = arith.constant 0 : i32
      %dma_start3A_16 = tpu.memref_slice %arg2[%arg1, %dma_start3A, %dma_start3A_15] : memref<16x79x128xi32, #tpu.memory_space<hbm>> -> memref<1x79x128xi32, #tpu.memory_space<hbm>>
      %dma_start3A_17 = tpu.memref_squeeze %dma_start3A_16 : memref<1x79x128xi32, #tpu.memory_space<hbm>> -> memref<79x128xi32, #tpu.memory_space<hbm>>
      %dma_start3A_18 = arith.constant 0 : i32
      %dma_start3A_19 = arith.constant 0 : i32
      %dma_start3A_20 = tpu.memref_slice %arg2[%arg1, %dma_start3A_18, %dma_start3A_19] : memref<16x79x128xi32, #tpu.memory_space<hbm>> -> memref<1x79x128xi32, #tpu.memory_space<hbm>>
      %dma_start3A_21 = tpu.memref_squeeze %dma_start3A_20 : memref<1x79x128xi32, #tpu.memory_space<hbm>> -> memref<79x128xi32, #tpu.memory_space<hbm>>
      tpu.enqueue_dma source(%dma_start3A_21 : memref<79x128xi32, #tpu.memory_space<hbm>>) target(%arg6 : memref<79x128xi32, #tpu.memory_space<vmem>>) target_semaphore(%run_scoped3A : memref<!tpu.dma_semaphore, #tpu.memory_space<semaphore_mem>>)
      %dma_wait3A = arith.constant 0 : i32
      %dma_wait3A_22 = arith.constant 0 : i32
      %dma_wait3A_23 = tpu.memref_slice %arg2[%arg1, %dma_wait3A, %dma_wait3A_22] : memref<16x79x128xi32, #tpu.memory_space<hbm>> -> memref<1x79x128xi32, #tpu.memory_space<hbm>>
      %dma_wait3A_24 = tpu.memref_squeeze %dma_wait3A_23 : memref<1x79x128xi32, #tpu.memory_space<hbm>> -> memref<79x128xi32, #tpu.memory_space<hbm>>
      %dma_wait3A_25 = arith.constant 0 : i32
      %dma_wait3A_26 = arith.constant 0 : i32
      %dma_wait3A_27 = tpu.memref_slice %arg2[%arg1, %dma_wait3A_25, %dma_wait3A_26] : memref<16x79x128xi32, #tpu.memory_space<hbm>> -> memref<1x79x128xi32, #tpu.memory_space<hbm>>
      %dma_wait3A_28 = tpu.memref_squeeze %dma_wait3A_27 : memref<1x79x128xi32, #tpu.memory_space<hbm>> -> memref<79x128xi32, #tpu.memory_space<hbm>>
      tpu.wait_dma2 semaphore(%run_scoped3A : memref<!tpu.dma_semaphore, #tpu.memory_space<semaphore_mem>>) src(%dma_wait3A_28 : memref<79x128xi32, #tpu.memory_space<hbm>>) dst(%arg6 : memref<79x128xi32, #tpu.memory_space<vmem>>)
      tpu.yield
    }) : () -> ()
    "tpu.region"() ({
      %run_scoped3A = tpu.sem_alloc : memref<!tpu.dma_semaphore, #tpu.memory_space<semaphore_mem>>
      tpu.enqueue_dma source(%arg3 : memref<128x128xf32, #tpu.memory_space<hbm>>) target(%arg7 : memref<128x128xf32, #tpu.memory_space<vmem>>) target_semaphore(%run_scoped3A : memref<!tpu.dma_semaphore, #tpu.memory_space<semaphore_mem>>)
      tpu.wait_dma2 semaphore(%run_scoped3A : memref<!tpu.dma_semaphore, #tpu.memory_space<semaphore_mem>>) src(%arg3 : memref<128x128xf32, #tpu.memory_space<hbm>>) dst(%arg7 : memref<128x128xf32, #tpu.memory_space<vmem>>)
      tpu.yield
    }) : () -> ()
    %mul3A = arith.constant 640 : i32
    %mul3A_0 = arith.muli %arg1, %mul3A : i32
    "tpu.region"() ({
      %run_scoped3A = tpu.sem_alloc : memref<!tpu.dma_semaphore, #tpu.memory_space<semaphore_mem>>
      %dma_start3A = arith.constant 0 : i32
      %dma_start3A_15 = tpu.memref_slice %arg8[%mul3A_0, %dma_start3A] : memref<10240x128xf32, #tpu.memory_space<vmem_shared>> -> memref<640x128xf32, #tpu.memory_space<vmem_shared>>
      tpu.enqueue_dma source(%arg4 : memref<640x128xf32, #tpu.memory_space<hbm>>) target(%dma_start3A_15 : memref<640x128xf32, #tpu.memory_space<vmem_shared>>) target_semaphore(%run_scoped3A : memref<!tpu.dma_semaphore, #tpu.memory_space<semaphore_mem>>)
      %dma_wait3A = arith.constant 0 : i32
      %dma_wait3A_16 = tpu.memref_slice %arg8[%mul3A_0, %dma_wait3A] : memref<10240x128xf32, #tpu.memory_space<vmem_shared>> -> memref<640x128xf32, #tpu.memory_space<vmem_shared>>
      tpu.wait_dma2 semaphore(%run_scoped3A : memref<!tpu.dma_semaphore, #tpu.memory_space<semaphore_mem>>) src(%arg4 : memref<640x128xf32, #tpu.memory_space<hbm>>) dst(%dma_wait3A_16 : memref<640x128xf32, #tpu.memory_space<vmem_shared>>)
      tpu.yield
    }) : () -> ()
    %barrier3A = arith.constant 0 : index
    tpu.barrier barrier_id(%barrier3A)
    %scan3A = arith.constant 0 : i32
    %scan3A_1 = arith.constant 79 : i32
    %scan3A_2 = arith.addi %scan3A, %scan3A_1 : i32
    %scan3A_3 = arith.constant 1 : i32
    scf.for %scan3A_15 = %scan3A to %scan3A_2 step %scan3A_3  : i32 {
      %mul3A_16 = arith.constant 1 : i32
      %mul3A_17 = arith.muli %scan3A_15, %mul3A_16 : i32
      %add3A = arith.constant 0 : i32
      %add3A_18 = arith.addi %add3A, %mul3A_17 : i32
      %dma_start3A = arith.constant 0 : i32
      %dma_start3A_19 = tpu.memref_slice %arg6[%add3A_18, %dma_start3A] : memref<79x128xi32, #tpu.memory_space<vmem>> -> memref<1x128xi32, #tpu.memory_space<vmem>>
      %dma_start3A_20 = tpu.memref_squeeze %dma_start3A_19 : memref<1x128xi32, #tpu.memory_space<vmem>> -> memref<128xi32, #tpu.memory_space<vmem>>
      %dma_start3A_21 = arith.constant 0 : i32
      %dma_start3A_22 = arith.constant 0 : i32
      %dma_start3A_23 = tpu.memref_slice %arg8[%dma_start3A_21, %dma_start3A_22] : memref<10240x128xf32, #tpu.memory_space<vmem_shared>> -> memref<10240x128xf32, #tpu.memory_space<vmem_shared>>
      tpu.enqueue_indirect_dma source(%arg7 : memref<128x128xf32, #tpu.memory_space<vmem>>) target(%dma_start3A_23 : memref<10240x128xf32, #tpu.memory_space<vmem_shared>>) offsets(%dma_start3A_20 : memref<128xi32, #tpu.memory_space<vmem>>) semaphore(%arg9 : memref<!tpu.dma_semaphore, #tpu.memory_space<semaphore_mem>>) {add = true}
    }
    %scan3A_4 = arith.constant 79 : i32
    %scan3A_5 = arith.constant 0 : i32
    %scan3A_6 = arith.constant 79 : i32
    %scan3A_7 = arith.addi %scan3A_5, %scan3A_6 : i32
    %scan3A_8 = arith.constant 1 : i32
    scf.for %scan3A_15 = %scan3A_5 to %scan3A_7 step %scan3A_8  : i32 {
      %mul3A_16 = arith.constant 1 : i32
      %mul3A_17 = arith.muli %scan3A_15, %mul3A_16 : i32
      %add3A = arith.constant 0 : i32
      %add3A_18 = arith.addi %add3A, %mul3A_17 : i32
      %dma_wait3A = arith.constant 0 : i32
      %dma_wait3A_19 = tpu.memref_slice %arg6[%add3A_18, %dma_wait3A] : memref<79x128xi32, #tpu.memory_space<vmem>> -> memref<1x128xi32, #tpu.memory_space<vmem>>
      %dma_wait3A_20 = tpu.memref_squeeze %dma_wait3A_19 : memref<1x128xi32, #tpu.memory_space<vmem>> -> memref<128xi32, #tpu.memory_space<vmem>>
      %dma_wait3A_21 = arith.constant 0 : i32
      %dma_wait3A_22 = arith.constant 0 : i32
      %dma_wait3A_23 = tpu.memref_slice %arg8[%dma_wait3A_21, %dma_wait3A_22] : memref<10240x128xf32, #tpu.memory_space<vmem_shared>> -> memref<10240x128xf32, #tpu.memory_space<vmem_shared>>
      tpu.wait_indirect_dma semaphore(%arg9 : memref<!tpu.dma_semaphore, #tpu.memory_space<semaphore_mem>>) src(%arg7 : memref<128x128xf32, #tpu.memory_space<vmem>>) dst(%dma_wait3A_23 : memref<10240x128xf32, #tpu.memory_space<vmem_shared>>)
    }
    %scan3A_9 = arith.constant 79 : i32
    %barrier3A_10 = arith.constant 0 : index
    tpu.barrier barrier_id(%barrier3A_10)
    %mul3A_11 = arith.constant 640 : i32
    %mul3A_12 = arith.muli %arg1, %mul3A_11 : i32
    %mul3A_13 = arith.constant 640 : i32
    %mul3A_14 = arith.muli %arg1, %mul3A_13 : i32
    "tpu.region"() ({
      %run_scoped3A = tpu.sem_alloc : memref<!tpu.dma_semaphore, #tpu.memory_space<semaphore_mem>>
      %dma_start3A = arith.constant 0 : i32
      %dma_start3A_15 = tpu.memref_slice %arg5[%arg0, %mul3A_14, %dma_start3A] : memref<2x10240x128xf32, #tpu.memory_space<hbm>> -> memref<1x640x128xf32, #tpu.memory_space<hbm>>
      %dma_start3A_16 = tpu.memref_squeeze %dma_start3A_15 : memref<1x640x128xf32, #tpu.memory_space<hbm>> -> memref<640x128xf32, #tpu.memory_space<hbm>>
      %dma_start3A_17 = arith.constant 0 : i32
      %dma_start3A_18 = tpu.memref_slice %arg8[%mul3A_12, %dma_start3A_17] : memref<10240x128xf32, #tpu.memory_space<vmem_shared>> -> memref<640x128xf32, #tpu.memory_space<vmem_shared>>
      tpu.enqueue_dma source(%dma_start3A_18 : memref<640x128xf32, #tpu.memory_space<vmem_shared>>) target(%dma_start3A_16 : memref<640x128xf32, #tpu.memory_space<hbm>>) target_semaphore(%run_scoped3A : memref<!tpu.dma_semaphore, #tpu.memory_space<semaphore_mem>>)
      %dma_wait3A = arith.constant 0 : i32
      %dma_wait3A_19 = tpu.memref_slice %arg5[%arg0, %mul3A_14, %dma_wait3A] : memref<2x10240x128xf32, #tpu.memory_space<hbm>> -> memref<1x640x128xf32, #tpu.memory_space<hbm>>
      %dma_wait3A_20 = tpu.memref_squeeze %dma_wait3A_19 : memref<1x640x128xf32, #tpu.memory_space<hbm>> -> memref<640x128xf32, #tpu.memory_space<hbm>>
      %dma_wait3A_21 = arith.constant 0 : i32
      %dma_wait3A_22 = tpu.memref_slice %arg8[%mul3A_12, %dma_wait3A_21] : memref<10240x128xf32, #tpu.memory_space<vmem_shared>> -> memref<640x128xf32, #tpu.memory_space<vmem_shared>>
      tpu.wait_dma2 semaphore(%run_scoped3A : memref<!tpu.dma_semaphore, #tpu.memory_space<semaphore_mem>>) src(%dma_wait3A_22 : memref<640x128xf32, #tpu.memory_space<vmem_shared>>) dst(%dma_wait3A_20 : memref<640x128xf32, #tpu.memory_space<hbm>>)
      tpu.yield
    }) : () -> ()
    return
  }
}

#map = affine_map<(d0, d1) -> (0, 0, 0)>
#map1 = affine_map<(d0, d1) -> (0, 0)>
module attributes {stable_mosaic.version = 14 : i64} {
  func.func @agg_kernel(%arg0: i32, %arg1: i32, %arg2: memref<2x10240x128xf32, #tpu.memory_space<hbm>>, %arg3: memref<16x79x64xi32, #tpu.memory_space<hbm>>, %arg4: memref<16x79x64xi32, #tpu.memory_space<hbm>>, %arg5: memref<16x79x128xi32, #tpu.memory_space<hbm>>, %arg6: memref<640x128xf32, #tpu.memory_space<hbm>>, %arg7: memref<2x10240x128xf32, #tpu.memory_space<hbm>>, %arg8: memref<79x64xi32, #tpu.memory_space<vmem>>, %arg9: memref<79x64xi32, #tpu.memory_space<vmem>>, %arg10: memref<79x128xi32, #tpu.memory_space<vmem>>, %arg11: memref<128x128xf32, #tpu.memory_space<vmem>>, %arg12: memref<10240x128xf32, #tpu.memory_space<vmem_shared>>, %arg13: memref<!tpu.dma_semaphore, #tpu.memory_space<semaphore_mem>>, %arg14: memref<!tpu.dma_semaphore, #tpu.memory_space<semaphore_mem>>, %arg15: memref<!tpu.dma_semaphore, #tpu.memory_space<semaphore_mem>>) attributes {dimension_semantics = [#tpu.dimension_semantics<core_parallel>, #tpu.dimension_semantics<subcore_parallel>], iteration_bounds = array<i64: 2, 16>, scalar_prefetch = 0 : i64, scratch_operands = 8 : i64, tpu.core_type = #tpu.core_type<sc_vector_subcore>, window_params = [{transform_indices = #map}, {transform_indices = #map}, {transform_indices = #map}, {transform_indices = #map}, {transform_indices = #map1}, {transform_indices = #map}]} {
    "tpu.region"() ({
      %run_scoped3A = tpu.sem_alloc : memref<!tpu.dma_semaphore, #tpu.memory_space<semaphore_mem>>
      %dma_start3A = arith.constant 0 : i32
      %dma_start3A_10 = arith.constant 0 : i32
      %dma_start3A_11 = tpu.memref_slice %arg3[%arg1, %dma_start3A, %dma_start3A_10] : memref<16x79x64xi32, #tpu.memory_space<hbm>> -> memref<1x79x64xi32, #tpu.memory_space<hbm>>
      %dma_start3A_12 = tpu.memref_squeeze %dma_start3A_11 : memref<1x79x64xi32, #tpu.memory_space<hbm>> -> memref<79x64xi32, #tpu.memory_space<hbm>>
      %dma_start3A_13 = arith.constant 0 : i32
      %dma_start3A_14 = arith.constant 0 : i32
      %dma_start3A_15 = tpu.memref_slice %arg3[%arg1, %dma_start3A_13, %dma_start3A_14] : memref<16x79x64xi32, #tpu.memory_space<hbm>> -> memref<1x79x64xi32, #tpu.memory_space<hbm>>
      %dma_start3A_16 = tpu.memref_squeeze %dma_start3A_15 : memref<1x79x64xi32, #tpu.memory_space<hbm>> -> memref<79x64xi32, #tpu.memory_space<hbm>>
      tpu.enqueue_dma source(%dma_start3A_16 : memref<79x64xi32, #tpu.memory_space<hbm>>) target(%arg8 : memref<79x64xi32, #tpu.memory_space<vmem>>) target_semaphore(%run_scoped3A : memref<!tpu.dma_semaphore, #tpu.memory_space<semaphore_mem>>)
      %dma_wait3A = arith.constant 0 : i32
      %dma_wait3A_17 = arith.constant 0 : i32
      %dma_wait3A_18 = tpu.memref_slice %arg3[%arg1, %dma_wait3A, %dma_wait3A_17] : memref<16x79x64xi32, #tpu.memory_space<hbm>> -> memref<1x79x64xi32, #tpu.memory_space<hbm>>
      %dma_wait3A_19 = tpu.memref_squeeze %dma_wait3A_18 : memref<1x79x64xi32, #tpu.memory_space<hbm>> -> memref<79x64xi32, #tpu.memory_space<hbm>>
      %dma_wait3A_20 = arith.constant 0 : i32
      %dma_wait3A_21 = arith.constant 0 : i32
      %dma_wait3A_22 = tpu.memref_slice %arg3[%arg1, %dma_wait3A_20, %dma_wait3A_21] : memref<16x79x64xi32, #tpu.memory_space<hbm>> -> memref<1x79x64xi32, #tpu.memory_space<hbm>>
      %dma_wait3A_23 = tpu.memref_squeeze %dma_wait3A_22 : memref<1x79x64xi32, #tpu.memory_space<hbm>> -> memref<79x64xi32, #tpu.memory_space<hbm>>
      tpu.wait_dma2 semaphore(%run_scoped3A : memref<!tpu.dma_semaphore, #tpu.memory_space<semaphore_mem>>) src(%dma_wait3A_23 : memref<79x64xi32, #tpu.memory_space<hbm>>) dst(%arg8 : memref<79x64xi32, #tpu.memory_space<vmem>>)
      tpu.yield
    }) : () -> ()
    "tpu.region"() ({
      %run_scoped3A = tpu.sem_alloc : memref<!tpu.dma_semaphore, #tpu.memory_space<semaphore_mem>>
      %dma_start3A = arith.constant 0 : i32
      %dma_start3A_10 = arith.constant 0 : i32
      %dma_start3A_11 = tpu.memref_slice %arg4[%arg1, %dma_start3A, %dma_start3A_10] : memref<16x79x64xi32, #tpu.memory_space<hbm>> -> memref<1x79x64xi32, #tpu.memory_space<hbm>>
      %dma_start3A_12 = tpu.memref_squeeze %dma_start3A_11 : memref<1x79x64xi32, #tpu.memory_space<hbm>> -> memref<79x64xi32, #tpu.memory_space<hbm>>
      %dma_start3A_13 = arith.constant 0 : i32
      %dma_start3A_14 = arith.constant 0 : i32
      %dma_start3A_15 = tpu.memref_slice %arg4[%arg1, %dma_start3A_13, %dma_start3A_14] : memref<16x79x64xi32, #tpu.memory_space<hbm>> -> memref<1x79x64xi32, #tpu.memory_space<hbm>>
      %dma_start3A_16 = tpu.memref_squeeze %dma_start3A_15 : memref<1x79x64xi32, #tpu.memory_space<hbm>> -> memref<79x64xi32, #tpu.memory_space<hbm>>
      tpu.enqueue_dma source(%dma_start3A_16 : memref<79x64xi32, #tpu.memory_space<hbm>>) target(%arg9 : memref<79x64xi32, #tpu.memory_space<vmem>>) target_semaphore(%run_scoped3A : memref<!tpu.dma_semaphore, #tpu.memory_space<semaphore_mem>>)
      %dma_wait3A = arith.constant 0 : i32
      %dma_wait3A_17 = arith.constant 0 : i32
      %dma_wait3A_18 = tpu.memref_slice %arg4[%arg1, %dma_wait3A, %dma_wait3A_17] : memref<16x79x64xi32, #tpu.memory_space<hbm>> -> memref<1x79x64xi32, #tpu.memory_space<hbm>>
      %dma_wait3A_19 = tpu.memref_squeeze %dma_wait3A_18 : memref<1x79x64xi32, #tpu.memory_space<hbm>> -> memref<79x64xi32, #tpu.memory_space<hbm>>
      %dma_wait3A_20 = arith.constant 0 : i32
      %dma_wait3A_21 = arith.constant 0 : i32
      %dma_wait3A_22 = tpu.memref_slice %arg4[%arg1, %dma_wait3A_20, %dma_wait3A_21] : memref<16x79x64xi32, #tpu.memory_space<hbm>> -> memref<1x79x64xi32, #tpu.memory_space<hbm>>
      %dma_wait3A_23 = tpu.memref_squeeze %dma_wait3A_22 : memref<1x79x64xi32, #tpu.memory_space<hbm>> -> memref<79x64xi32, #tpu.memory_space<hbm>>
      tpu.wait_dma2 semaphore(%run_scoped3A : memref<!tpu.dma_semaphore, #tpu.memory_space<semaphore_mem>>) src(%dma_wait3A_23 : memref<79x64xi32, #tpu.memory_space<hbm>>) dst(%arg9 : memref<79x64xi32, #tpu.memory_space<vmem>>)
      tpu.yield
    }) : () -> ()
    "tpu.region"() ({
      %run_scoped3A = tpu.sem_alloc : memref<!tpu.dma_semaphore, #tpu.memory_space<semaphore_mem>>
      %dma_start3A = arith.constant 0 : i32
      %dma_start3A_10 = arith.constant 0 : i32
      %dma_start3A_11 = tpu.memref_slice %arg5[%arg1, %dma_start3A, %dma_start3A_10] : memref<16x79x128xi32, #tpu.memory_space<hbm>> -> memref<1x79x128xi32, #tpu.memory_space<hbm>>
      %dma_start3A_12 = tpu.memref_squeeze %dma_start3A_11 : memref<1x79x128xi32, #tpu.memory_space<hbm>> -> memref<79x128xi32, #tpu.memory_space<hbm>>
      %dma_start3A_13 = arith.constant 0 : i32
      %dma_start3A_14 = arith.constant 0 : i32
      %dma_start3A_15 = tpu.memref_slice %arg5[%arg1, %dma_start3A_13, %dma_start3A_14] : memref<16x79x128xi32, #tpu.memory_space<hbm>> -> memref<1x79x128xi32, #tpu.memory_space<hbm>>
      %dma_start3A_16 = tpu.memref_squeeze %dma_start3A_15 : memref<1x79x128xi32, #tpu.memory_space<hbm>> -> memref<79x128xi32, #tpu.memory_space<hbm>>
      tpu.enqueue_dma source(%dma_start3A_16 : memref<79x128xi32, #tpu.memory_space<hbm>>) target(%arg10 : memref<79x128xi32, #tpu.memory_space<vmem>>) target_semaphore(%run_scoped3A : memref<!tpu.dma_semaphore, #tpu.memory_space<semaphore_mem>>)
      %dma_wait3A = arith.constant 0 : i32
      %dma_wait3A_17 = arith.constant 0 : i32
      %dma_wait3A_18 = tpu.memref_slice %arg5[%arg1, %dma_wait3A, %dma_wait3A_17] : memref<16x79x128xi32, #tpu.memory_space<hbm>> -> memref<1x79x128xi32, #tpu.memory_space<hbm>>
      %dma_wait3A_19 = tpu.memref_squeeze %dma_wait3A_18 : memref<1x79x128xi32, #tpu.memory_space<hbm>> -> memref<79x128xi32, #tpu.memory_space<hbm>>
      %dma_wait3A_20 = arith.constant 0 : i32
      %dma_wait3A_21 = arith.constant 0 : i32
      %dma_wait3A_22 = tpu.memref_slice %arg5[%arg1, %dma_wait3A_20, %dma_wait3A_21] : memref<16x79x128xi32, #tpu.memory_space<hbm>> -> memref<1x79x128xi32, #tpu.memory_space<hbm>>
      %dma_wait3A_23 = tpu.memref_squeeze %dma_wait3A_22 : memref<1x79x128xi32, #tpu.memory_space<hbm>> -> memref<79x128xi32, #tpu.memory_space<hbm>>
      tpu.wait_dma2 semaphore(%run_scoped3A : memref<!tpu.dma_semaphore, #tpu.memory_space<semaphore_mem>>) src(%dma_wait3A_23 : memref<79x128xi32, #tpu.memory_space<hbm>>) dst(%arg10 : memref<79x128xi32, #tpu.memory_space<vmem>>)
      tpu.yield
    }) : () -> ()
    %mul3A = arith.constant 640 : i32
    %mul3A_0 = arith.muli %arg1, %mul3A : i32
    "tpu.region"() ({
      %run_scoped3A = tpu.sem_alloc : memref<!tpu.dma_semaphore, #tpu.memory_space<semaphore_mem>>
      %dma_start3A = arith.constant 0 : i32
      %dma_start3A_10 = tpu.memref_slice %arg12[%mul3A_0, %dma_start3A] : memref<10240x128xf32, #tpu.memory_space<vmem_shared>> -> memref<640x128xf32, #tpu.memory_space<vmem_shared>>
      tpu.enqueue_dma source(%arg6 : memref<640x128xf32, #tpu.memory_space<hbm>>) target(%dma_start3A_10 : memref<640x128xf32, #tpu.memory_space<vmem_shared>>) target_semaphore(%run_scoped3A : memref<!tpu.dma_semaphore, #tpu.memory_space<semaphore_mem>>)
      %dma_wait3A = arith.constant 0 : i32
      %dma_wait3A_11 = tpu.memref_slice %arg12[%mul3A_0, %dma_wait3A] : memref<10240x128xf32, #tpu.memory_space<vmem_shared>> -> memref<640x128xf32, #tpu.memory_space<vmem_shared>>
      tpu.wait_dma2 semaphore(%run_scoped3A : memref<!tpu.dma_semaphore, #tpu.memory_space<semaphore_mem>>) src(%arg6 : memref<640x128xf32, #tpu.memory_space<hbm>>) dst(%dma_wait3A_11 : memref<640x128xf32, #tpu.memory_space<vmem_shared>>)
      tpu.yield
    }) : () -> ()
    %barrier3A = arith.constant 0 : index
    tpu.barrier barrier_id(%barrier3A)
    %scan3A = arith.constant 0 : i32
    %scan3A_1 = arith.constant 79 : i32
    %scan3A_2 = arith.addi %scan3A, %scan3A_1 : i32
    %scan3A_3 = arith.constant 1 : i32
    scf.for %scan3A_10 = %scan3A to %scan3A_2 step %scan3A_3  : i32 {
      %mul3A_11 = arith.constant 1 : i32
      %mul3A_12 = arith.muli %scan3A_10, %mul3A_11 : i32
      %add3A = arith.constant 0 : i32
      %add3A_13 = arith.addi %add3A, %mul3A_12 : i32
      %dma_start3A = arith.constant 0 : i32
      %dma_start3A_14 = arith.constant 0 : i32
      %dma_start3A_15 = tpu.memref_slice %arg11[%dma_start3A, %dma_start3A_14] : memref<128x128xf32, #tpu.memory_space<vmem>> -> memref<64x128xf32, #tpu.memory_space<vmem>>
      %dma_start3A_16 = arith.constant 0 : i32
      %dma_start3A_17 = tpu.memref_slice %arg8[%add3A_13, %dma_start3A_16] : memref<79x64xi32, #tpu.memory_space<vmem>> -> memref<1x64xi32, #tpu.memory_space<vmem>>
      %dma_start3A_18 = tpu.memref_squeeze %dma_start3A_17 : memref<1x64xi32, #tpu.memory_space<vmem>> -> memref<64xi32, #tpu.memory_space<vmem>>
      %dma_start3A_19 = arith.constant 0 : i32
      %dma_start3A_20 = arith.constant 0 : i32
      %dma_start3A_21 = tpu.memref_slice %arg2[%arg0, %dma_start3A_19, %dma_start3A_20] : memref<2x10240x128xf32, #tpu.memory_space<hbm>> -> memref<1x10240x128xf32, #tpu.memory_space<hbm>>
      %dma_start3A_22 = tpu.memref_squeeze %dma_start3A_21 : memref<1x10240x128xf32, #tpu.memory_space<hbm>> -> memref<10240x128xf32, #tpu.memory_space<hbm>>
      %dma_start3A_23 = arith.constant 0 : i32
      %dma_start3A_24 = arith.constant 0 : i32
      %dma_start3A_25 = tpu.memref_slice %dma_start3A_22[%dma_start3A_23, %dma_start3A_24] : memref<10240x128xf32, #tpu.memory_space<hbm>> -> memref<10240x128xf32, #tpu.memory_space<hbm>>
      tpu.enqueue_indirect_dma source(%dma_start3A_25 : memref<10240x128xf32, #tpu.memory_space<hbm>>) target(%dma_start3A_15 : memref<64x128xf32, #tpu.memory_space<vmem>>) offsets(%dma_start3A_18 : memref<64xi32, #tpu.memory_space<vmem>>) semaphore(%arg13 : memref<!tpu.dma_semaphore, #tpu.memory_space<semaphore_mem>>)
      %dma_start3A_26 = arith.constant 64 : i32
      %dma_start3A_27 = arith.constant 0 : i32
      %dma_start3A_28 = tpu.memref_slice %arg11[%dma_start3A_26, %dma_start3A_27] : memref<128x128xf32, #tpu.memory_space<vmem>> -> memref<64x128xf32, #tpu.memory_space<vmem>>
      %dma_start3A_29 = arith.constant 0 : i32
      %dma_start3A_30 = tpu.memref_slice %arg9[%add3A_13, %dma_start3A_29] : memref<79x64xi32, #tpu.memory_space<vmem>> -> memref<1x64xi32, #tpu.memory_space<vmem>>
      %dma_start3A_31 = tpu.memref_squeeze %dma_start3A_30 : memref<1x64xi32, #tpu.memory_space<vmem>> -> memref<64xi32, #tpu.memory_space<vmem>>
      %dma_start3A_32 = arith.constant 0 : i32
      %dma_start3A_33 = arith.constant 0 : i32
      %dma_start3A_34 = tpu.memref_slice %arg2[%arg0, %dma_start3A_32, %dma_start3A_33] : memref<2x10240x128xf32, #tpu.memory_space<hbm>> -> memref<1x10240x128xf32, #tpu.memory_space<hbm>>
      %dma_start3A_35 = tpu.memref_squeeze %dma_start3A_34 : memref<1x10240x128xf32, #tpu.memory_space<hbm>> -> memref<10240x128xf32, #tpu.memory_space<hbm>>
      %dma_start3A_36 = arith.constant 0 : i32
      %dma_start3A_37 = arith.constant 0 : i32
      %dma_start3A_38 = tpu.memref_slice %dma_start3A_35[%dma_start3A_36, %dma_start3A_37] : memref<10240x128xf32, #tpu.memory_space<hbm>> -> memref<10240x128xf32, #tpu.memory_space<hbm>>
      tpu.enqueue_indirect_dma source(%dma_start3A_38 : memref<10240x128xf32, #tpu.memory_space<hbm>>) target(%dma_start3A_28 : memref<64x128xf32, #tpu.memory_space<vmem>>) offsets(%dma_start3A_31 : memref<64xi32, #tpu.memory_space<vmem>>) semaphore(%arg14 : memref<!tpu.dma_semaphore, #tpu.memory_space<semaphore_mem>>)
      %dma_wait3A = arith.constant 0 : i32
      %dma_wait3A_39 = arith.constant 0 : i32
      %dma_wait3A_40 = tpu.memref_slice %arg11[%dma_wait3A, %dma_wait3A_39] : memref<128x128xf32, #tpu.memory_space<vmem>> -> memref<64x128xf32, #tpu.memory_space<vmem>>
      %dma_wait3A_41 = arith.constant 0 : i32
      %dma_wait3A_42 = tpu.memref_slice %arg8[%add3A_13, %dma_wait3A_41] : memref<79x64xi32, #tpu.memory_space<vmem>> -> memref<1x64xi32, #tpu.memory_space<vmem>>
      %dma_wait3A_43 = tpu.memref_squeeze %dma_wait3A_42 : memref<1x64xi32, #tpu.memory_space<vmem>> -> memref<64xi32, #tpu.memory_space<vmem>>
      %dma_wait3A_44 = arith.constant 0 : i32
      %dma_wait3A_45 = arith.constant 0 : i32
      %dma_wait3A_46 = tpu.memref_slice %arg2[%arg0, %dma_wait3A_44, %dma_wait3A_45] : memref<2x10240x128xf32, #tpu.memory_space<hbm>> -> memref<1x10240x128xf32, #tpu.memory_space<hbm>>
      %dma_wait3A_47 = tpu.memref_squeeze %dma_wait3A_46 : memref<1x10240x128xf32, #tpu.memory_space<hbm>> -> memref<10240x128xf32, #tpu.memory_space<hbm>>
      %dma_wait3A_48 = arith.constant 0 : i32
      %dma_wait3A_49 = arith.constant 0 : i32
      %dma_wait3A_50 = tpu.memref_slice %dma_wait3A_47[%dma_wait3A_48, %dma_wait3A_49] : memref<10240x128xf32, #tpu.memory_space<hbm>> -> memref<10240x128xf32, #tpu.memory_space<hbm>>
      tpu.wait_indirect_dma semaphore(%arg13 : memref<!tpu.dma_semaphore, #tpu.memory_space<semaphore_mem>>) src(%dma_wait3A_50 : memref<10240x128xf32, #tpu.memory_space<hbm>>) dst(%dma_wait3A_40 : memref<64x128xf32, #tpu.memory_space<vmem>>)
      %dma_wait3A_51 = arith.constant 64 : i32
      %dma_wait3A_52 = arith.constant 0 : i32
      %dma_wait3A_53 = tpu.memref_slice %arg11[%dma_wait3A_51, %dma_wait3A_52] : memref<128x128xf32, #tpu.memory_space<vmem>> -> memref<64x128xf32, #tpu.memory_space<vmem>>
      %dma_wait3A_54 = arith.constant 0 : i32
      %dma_wait3A_55 = tpu.memref_slice %arg9[%add3A_13, %dma_wait3A_54] : memref<79x64xi32, #tpu.memory_space<vmem>> -> memref<1x64xi32, #tpu.memory_space<vmem>>
      %dma_wait3A_56 = tpu.memref_squeeze %dma_wait3A_55 : memref<1x64xi32, #tpu.memory_space<vmem>> -> memref<64xi32, #tpu.memory_space<vmem>>
      %dma_wait3A_57 = arith.constant 0 : i32
      %dma_wait3A_58 = arith.constant 0 : i32
      %dma_wait3A_59 = tpu.memref_slice %arg2[%arg0, %dma_wait3A_57, %dma_wait3A_58] : memref<2x10240x128xf32, #tpu.memory_space<hbm>> -> memref<1x10240x128xf32, #tpu.memory_space<hbm>>
      %dma_wait3A_60 = tpu.memref_squeeze %dma_wait3A_59 : memref<1x10240x128xf32, #tpu.memory_space<hbm>> -> memref<10240x128xf32, #tpu.memory_space<hbm>>
      %dma_wait3A_61 = arith.constant 0 : i32
      %dma_wait3A_62 = arith.constant 0 : i32
      %dma_wait3A_63 = tpu.memref_slice %dma_wait3A_60[%dma_wait3A_61, %dma_wait3A_62] : memref<10240x128xf32, #tpu.memory_space<hbm>> -> memref<10240x128xf32, #tpu.memory_space<hbm>>
      tpu.wait_indirect_dma semaphore(%arg14 : memref<!tpu.dma_semaphore, #tpu.memory_space<semaphore_mem>>) src(%dma_wait3A_63 : memref<10240x128xf32, #tpu.memory_space<hbm>>) dst(%dma_wait3A_53 : memref<64x128xf32, #tpu.memory_space<vmem>>)
      %dma_start3A_64 = arith.constant 0 : i32
      %dma_start3A_65 = tpu.memref_slice %arg10[%add3A_13, %dma_start3A_64] : memref<79x128xi32, #tpu.memory_space<vmem>> -> memref<1x128xi32, #tpu.memory_space<vmem>>
      %dma_start3A_66 = tpu.memref_squeeze %dma_start3A_65 : memref<1x128xi32, #tpu.memory_space<vmem>> -> memref<128xi32, #tpu.memory_space<vmem>>
      %dma_start3A_67 = arith.constant 0 : i32
      %dma_start3A_68 = arith.constant 0 : i32
      %dma_start3A_69 = tpu.memref_slice %arg12[%dma_start3A_67, %dma_start3A_68] : memref<10240x128xf32, #tpu.memory_space<vmem_shared>> -> memref<10240x128xf32, #tpu.memory_space<vmem_shared>>
      tpu.enqueue_indirect_dma source(%arg11 : memref<128x128xf32, #tpu.memory_space<vmem>>) target(%dma_start3A_69 : memref<10240x128xf32, #tpu.memory_space<vmem_shared>>) offsets(%dma_start3A_66 : memref<128xi32, #tpu.memory_space<vmem>>) semaphore(%arg15 : memref<!tpu.dma_semaphore, #tpu.memory_space<semaphore_mem>>) {add = true}
      %dma_wait3A_70 = arith.constant 0 : i32
      %dma_wait3A_71 = tpu.memref_slice %arg10[%add3A_13, %dma_wait3A_70] : memref<79x128xi32, #tpu.memory_space<vmem>> -> memref<1x128xi32, #tpu.memory_space<vmem>>
      %dma_wait3A_72 = tpu.memref_squeeze %dma_wait3A_71 : memref<1x128xi32, #tpu.memory_space<vmem>> -> memref<128xi32, #tpu.memory_space<vmem>>
      %dma_wait3A_73 = arith.constant 0 : i32
      %dma_wait3A_74 = arith.constant 0 : i32
      %dma_wait3A_75 = tpu.memref_slice %arg12[%dma_wait3A_73, %dma_wait3A_74] : memref<10240x128xf32, #tpu.memory_space<vmem_shared>> -> memref<10240x128xf32, #tpu.memory_space<vmem_shared>>
      tpu.wait_indirect_dma semaphore(%arg15 : memref<!tpu.dma_semaphore, #tpu.memory_space<semaphore_mem>>) src(%arg11 : memref<128x128xf32, #tpu.memory_space<vmem>>) dst(%dma_wait3A_75 : memref<10240x128xf32, #tpu.memory_space<vmem_shared>>)
    }
    %scan3A_4 = arith.constant 79 : i32
    %barrier3A_5 = arith.constant 0 : index
    tpu.barrier barrier_id(%barrier3A_5)
    %mul3A_6 = arith.constant 640 : i32
    %mul3A_7 = arith.muli %arg1, %mul3A_6 : i32
    %mul3A_8 = arith.constant 640 : i32
    %mul3A_9 = arith.muli %arg1, %mul3A_8 : i32
    "tpu.region"() ({
      %run_scoped3A = tpu.sem_alloc : memref<!tpu.dma_semaphore, #tpu.memory_space<semaphore_mem>>
      %dma_start3A = arith.constant 0 : i32
      %dma_start3A_10 = tpu.memref_slice %arg7[%arg0, %mul3A_9, %dma_start3A] : memref<2x10240x128xf32, #tpu.memory_space<hbm>> -> memref<1x640x128xf32, #tpu.memory_space<hbm>>
      %dma_start3A_11 = tpu.memref_squeeze %dma_start3A_10 : memref<1x640x128xf32, #tpu.memory_space<hbm>> -> memref<640x128xf32, #tpu.memory_space<hbm>>
      %dma_start3A_12 = arith.constant 0 : i32
      %dma_start3A_13 = tpu.memref_slice %arg12[%mul3A_7, %dma_start3A_12] : memref<10240x128xf32, #tpu.memory_space<vmem_shared>> -> memref<640x128xf32, #tpu.memory_space<vmem_shared>>
      tpu.enqueue_dma source(%dma_start3A_13 : memref<640x128xf32, #tpu.memory_space<vmem_shared>>) target(%dma_start3A_11 : memref<640x128xf32, #tpu.memory_space<hbm>>) target_semaphore(%run_scoped3A : memref<!tpu.dma_semaphore, #tpu.memory_space<semaphore_mem>>)
      %dma_wait3A = arith.constant 0 : i32
      %dma_wait3A_14 = tpu.memref_slice %arg7[%arg0, %mul3A_9, %dma_wait3A] : memref<2x10240x128xf32, #tpu.memory_space<hbm>> -> memref<1x640x128xf32, #tpu.memory_space<hbm>>
      %dma_wait3A_15 = tpu.memref_squeeze %dma_wait3A_14 : memref<1x640x128xf32, #tpu.memory_space<hbm>> -> memref<640x128xf32, #tpu.memory_space<hbm>>
      %dma_wait3A_16 = arith.constant 0 : i32
      %dma_wait3A_17 = tpu.memref_slice %arg12[%mul3A_7, %dma_wait3A_16] : memref<10240x128xf32, #tpu.memory_space<vmem_shared>> -> memref<640x128xf32, #tpu.memory_space<vmem_shared>>
      tpu.wait_dma2 semaphore(%run_scoped3A : memref<!tpu.dma_semaphore, #tpu.memory_space<semaphore_mem>>) src(%dma_wait3A_17 : memref<640x128xf32, #tpu.memory_space<vmem_shared>>) dst(%dma_wait3A_15 : memref<640x128xf32, #tpu.memory_space<hbm>>)
      tpu.yield
    }) : () -> ()
    return
  }
}

#map = affine_map<(d0, d1) -> (0, 0, 0)>
#map1 = affine_map<(d0, d1) -> (0, 0)>
module attributes {stable_mosaic.version = 14 : i64} {
  func.func @agg_kernel(%arg0: i32, %arg1: i32, %arg2: memref<2x10240x128xf32, #tpu.memory_space<hbm>>, %arg3: memref<16x79x64xi32, #tpu.memory_space<hbm>>, %arg4: memref<16x79x64xi32, #tpu.memory_space<hbm>>, %arg5: memref<16x79x128xi32, #tpu.memory_space<hbm>>, %arg6: memref<640x128xf32, #tpu.memory_space<hbm>>, %arg7: memref<2x10240x128xf32, #tpu.memory_space<hbm>>, %arg8: memref<79x64xi32, #tpu.memory_space<vmem>>, %arg9: memref<79x64xi32, #tpu.memory_space<vmem>>, %arg10: memref<79x128xi32, #tpu.memory_space<vmem>>, %arg11: memref<128x128xf32, #tpu.memory_space<vmem>>, %arg12: memref<10240x128xf32, #tpu.memory_space<vmem_shared>>, %arg13: memref<!tpu.dma_semaphore, #tpu.memory_space<semaphore_mem>>, %arg14: memref<!tpu.dma_semaphore, #tpu.memory_space<semaphore_mem>>, %arg15: memref<!tpu.dma_semaphore, #tpu.memory_space<semaphore_mem>>) attributes {dimension_semantics = [#tpu.dimension_semantics<core_parallel>, #tpu.dimension_semantics<subcore_parallel>], iteration_bounds = array<i64: 2, 16>, scalar_prefetch = 0 : i64, scratch_operands = 8 : i64, tpu.core_type = #tpu.core_type<sc_vector_subcore>, window_params = [{transform_indices = #map}, {transform_indices = #map}, {transform_indices = #map}, {transform_indices = #map}, {transform_indices = #map1}, {transform_indices = #map}]} {
    "tpu.region"() ({
      %run_scoped3A = tpu.sem_alloc : memref<!tpu.dma_semaphore, #tpu.memory_space<semaphore_mem>>
      %dma_start3A = arith.constant 0 : i32
      %dma_start3A_10 = arith.constant 0 : i32
      %dma_start3A_11 = tpu.memref_slice %arg3[%arg1, %dma_start3A, %dma_start3A_10] : memref<16x79x64xi32, #tpu.memory_space<hbm>> -> memref<1x79x64xi32, #tpu.memory_space<hbm>>
      %dma_start3A_12 = tpu.memref_squeeze %dma_start3A_11 : memref<1x79x64xi32, #tpu.memory_space<hbm>> -> memref<79x64xi32, #tpu.memory_space<hbm>>
      %dma_start3A_13 = arith.constant 0 : i32
      %dma_start3A_14 = arith.constant 0 : i32
      %dma_start3A_15 = tpu.memref_slice %arg3[%arg1, %dma_start3A_13, %dma_start3A_14] : memref<16x79x64xi32, #tpu.memory_space<hbm>> -> memref<1x79x64xi32, #tpu.memory_space<hbm>>
      %dma_start3A_16 = tpu.memref_squeeze %dma_start3A_15 : memref<1x79x64xi32, #tpu.memory_space<hbm>> -> memref<79x64xi32, #tpu.memory_space<hbm>>
      tpu.enqueue_dma source(%dma_start3A_16 : memref<79x64xi32, #tpu.memory_space<hbm>>) target(%arg8 : memref<79x64xi32, #tpu.memory_space<vmem>>) target_semaphore(%run_scoped3A : memref<!tpu.dma_semaphore, #tpu.memory_space<semaphore_mem>>)
      %dma_wait3A = arith.constant 0 : i32
      %dma_wait3A_17 = arith.constant 0 : i32
      %dma_wait3A_18 = tpu.memref_slice %arg3[%arg1, %dma_wait3A, %dma_wait3A_17] : memref<16x79x64xi32, #tpu.memory_space<hbm>> -> memref<1x79x64xi32, #tpu.memory_space<hbm>>
      %dma_wait3A_19 = tpu.memref_squeeze %dma_wait3A_18 : memref<1x79x64xi32, #tpu.memory_space<hbm>> -> memref<79x64xi32, #tpu.memory_space<hbm>>
      %dma_wait3A_20 = arith.constant 0 : i32
      %dma_wait3A_21 = arith.constant 0 : i32
      %dma_wait3A_22 = tpu.memref_slice %arg3[%arg1, %dma_wait3A_20, %dma_wait3A_21] : memref<16x79x64xi32, #tpu.memory_space<hbm>> -> memref<1x79x64xi32, #tpu.memory_space<hbm>>
      %dma_wait3A_23 = tpu.memref_squeeze %dma_wait3A_22 : memref<1x79x64xi32, #tpu.memory_space<hbm>> -> memref<79x64xi32, #tpu.memory_space<hbm>>
      tpu.wait_dma2 semaphore(%run_scoped3A : memref<!tpu.dma_semaphore, #tpu.memory_space<semaphore_mem>>) src(%dma_wait3A_23 : memref<79x64xi32, #tpu.memory_space<hbm>>) dst(%arg8 : memref<79x64xi32, #tpu.memory_space<vmem>>)
      tpu.yield
    }) : () -> ()
    "tpu.region"() ({
      %run_scoped3A = tpu.sem_alloc : memref<!tpu.dma_semaphore, #tpu.memory_space<semaphore_mem>>
      %dma_start3A = arith.constant 0 : i32
      %dma_start3A_10 = arith.constant 0 : i32
      %dma_start3A_11 = tpu.memref_slice %arg4[%arg1, %dma_start3A, %dma_start3A_10] : memref<16x79x64xi32, #tpu.memory_space<hbm>> -> memref<1x79x64xi32, #tpu.memory_space<hbm>>
      %dma_start3A_12 = tpu.memref_squeeze %dma_start3A_11 : memref<1x79x64xi32, #tpu.memory_space<hbm>> -> memref<79x64xi32, #tpu.memory_space<hbm>>
      %dma_start3A_13 = arith.constant 0 : i32
      %dma_start3A_14 = arith.constant 0 : i32
      %dma_start3A_15 = tpu.memref_slice %arg4[%arg1, %dma_start3A_13, %dma_start3A_14] : memref<16x79x64xi32, #tpu.memory_space<hbm>> -> memref<1x79x64xi32, #tpu.memory_space<hbm>>
      %dma_start3A_16 = tpu.memref_squeeze %dma_start3A_15 : memref<1x79x64xi32, #tpu.memory_space<hbm>> -> memref<79x64xi32, #tpu.memory_space<hbm>>
      tpu.enqueue_dma source(%dma_start3A_16 : memref<79x64xi32, #tpu.memory_space<hbm>>) target(%arg9 : memref<79x64xi32, #tpu.memory_space<vmem>>) target_semaphore(%run_scoped3A : memref<!tpu.dma_semaphore, #tpu.memory_space<semaphore_mem>>)
      %dma_wait3A = arith.constant 0 : i32
      %dma_wait3A_17 = arith.constant 0 : i32
      %dma_wait3A_18 = tpu.memref_slice %arg4[%arg1, %dma_wait3A, %dma_wait3A_17] : memref<16x79x64xi32, #tpu.memory_space<hbm>> -> memref<1x79x64xi32, #tpu.memory_space<hbm>>
      %dma_wait3A_19 = tpu.memref_squeeze %dma_wait3A_18 : memref<1x79x64xi32, #tpu.memory_space<hbm>> -> memref<79x64xi32, #tpu.memory_space<hbm>>
      %dma_wait3A_20 = arith.constant 0 : i32
      %dma_wait3A_21 = arith.constant 0 : i32
      %dma_wait3A_22 = tpu.memref_slice %arg4[%arg1, %dma_wait3A_20, %dma_wait3A_21] : memref<16x79x64xi32, #tpu.memory_space<hbm>> -> memref<1x79x64xi32, #tpu.memory_space<hbm>>
      %dma_wait3A_23 = tpu.memref_squeeze %dma_wait3A_22 : memref<1x79x64xi32, #tpu.memory_space<hbm>> -> memref<79x64xi32, #tpu.memory_space<hbm>>
      tpu.wait_dma2 semaphore(%run_scoped3A : memref<!tpu.dma_semaphore, #tpu.memory_space<semaphore_mem>>) src(%dma_wait3A_23 : memref<79x64xi32, #tpu.memory_space<hbm>>) dst(%arg9 : memref<79x64xi32, #tpu.memory_space<vmem>>)
      tpu.yield
    }) : () -> ()
    "tpu.region"() ({
      %run_scoped3A = tpu.sem_alloc : memref<!tpu.dma_semaphore, #tpu.memory_space<semaphore_mem>>
      %dma_start3A = arith.constant 0 : i32
      %dma_start3A_10 = arith.constant 0 : i32
      %dma_start3A_11 = tpu.memref_slice %arg5[%arg1, %dma_start3A, %dma_start3A_10] : memref<16x79x128xi32, #tpu.memory_space<hbm>> -> memref<1x79x128xi32, #tpu.memory_space<hbm>>
      %dma_start3A_12 = tpu.memref_squeeze %dma_start3A_11 : memref<1x79x128xi32, #tpu.memory_space<hbm>> -> memref<79x128xi32, #tpu.memory_space<hbm>>
      %dma_start3A_13 = arith.constant 0 : i32
      %dma_start3A_14 = arith.constant 0 : i32
      %dma_start3A_15 = tpu.memref_slice %arg5[%arg1, %dma_start3A_13, %dma_start3A_14] : memref<16x79x128xi32, #tpu.memory_space<hbm>> -> memref<1x79x128xi32, #tpu.memory_space<hbm>>
      %dma_start3A_16 = tpu.memref_squeeze %dma_start3A_15 : memref<1x79x128xi32, #tpu.memory_space<hbm>> -> memref<79x128xi32, #tpu.memory_space<hbm>>
      tpu.enqueue_dma source(%dma_start3A_16 : memref<79x128xi32, #tpu.memory_space<hbm>>) target(%arg10 : memref<79x128xi32, #tpu.memory_space<vmem>>) target_semaphore(%run_scoped3A : memref<!tpu.dma_semaphore, #tpu.memory_space<semaphore_mem>>)
      %dma_wait3A = arith.constant 0 : i32
      %dma_wait3A_17 = arith.constant 0 : i32
      %dma_wait3A_18 = tpu.memref_slice %arg5[%arg1, %dma_wait3A, %dma_wait3A_17] : memref<16x79x128xi32, #tpu.memory_space<hbm>> -> memref<1x79x128xi32, #tpu.memory_space<hbm>>
      %dma_wait3A_19 = tpu.memref_squeeze %dma_wait3A_18 : memref<1x79x128xi32, #tpu.memory_space<hbm>> -> memref<79x128xi32, #tpu.memory_space<hbm>>
      %dma_wait3A_20 = arith.constant 0 : i32
      %dma_wait3A_21 = arith.constant 0 : i32
      %dma_wait3A_22 = tpu.memref_slice %arg5[%arg1, %dma_wait3A_20, %dma_wait3A_21] : memref<16x79x128xi32, #tpu.memory_space<hbm>> -> memref<1x79x128xi32, #tpu.memory_space<hbm>>
      %dma_wait3A_23 = tpu.memref_squeeze %dma_wait3A_22 : memref<1x79x128xi32, #tpu.memory_space<hbm>> -> memref<79x128xi32, #tpu.memory_space<hbm>>
      tpu.wait_dma2 semaphore(%run_scoped3A : memref<!tpu.dma_semaphore, #tpu.memory_space<semaphore_mem>>) src(%dma_wait3A_23 : memref<79x128xi32, #tpu.memory_space<hbm>>) dst(%arg10 : memref<79x128xi32, #tpu.memory_space<vmem>>)
      tpu.yield
    }) : () -> ()
    %mul3A = arith.constant 640 : i32
    %mul3A_0 = arith.muli %arg1, %mul3A : i32
    "tpu.region"() ({
      %run_scoped3A = tpu.sem_alloc : memref<!tpu.dma_semaphore, #tpu.memory_space<semaphore_mem>>
      %dma_start3A = arith.constant 0 : i32
      %dma_start3A_10 = tpu.memref_slice %arg12[%mul3A_0, %dma_start3A] : memref<10240x128xf32, #tpu.memory_space<vmem_shared>> -> memref<640x128xf32, #tpu.memory_space<vmem_shared>>
      tpu.enqueue_dma source(%arg6 : memref<640x128xf32, #tpu.memory_space<hbm>>) target(%dma_start3A_10 : memref<640x128xf32, #tpu.memory_space<vmem_shared>>) target_semaphore(%run_scoped3A : memref<!tpu.dma_semaphore, #tpu.memory_space<semaphore_mem>>)
      %dma_wait3A = arith.constant 0 : i32
      %dma_wait3A_11 = tpu.memref_slice %arg12[%mul3A_0, %dma_wait3A] : memref<10240x128xf32, #tpu.memory_space<vmem_shared>> -> memref<640x128xf32, #tpu.memory_space<vmem_shared>>
      tpu.wait_dma2 semaphore(%run_scoped3A : memref<!tpu.dma_semaphore, #tpu.memory_space<semaphore_mem>>) src(%arg6 : memref<640x128xf32, #tpu.memory_space<hbm>>) dst(%dma_wait3A_11 : memref<640x128xf32, #tpu.memory_space<vmem_shared>>)
      tpu.yield
    }) : () -> ()
    %barrier3A = arith.constant 0 : index
    tpu.barrier barrier_id(%barrier3A)
    %scan3A = arith.constant 0 : i32
    %scan3A_1 = arith.constant 79 : i32
    %scan3A_2 = arith.addi %scan3A, %scan3A_1 : i32
    %scan3A_3 = arith.constant 1 : i32
    scf.for %scan3A_10 = %scan3A to %scan3A_2 step %scan3A_3  : i32 {
      %mul3A_11 = arith.constant 1 : i32
      %mul3A_12 = arith.muli %scan3A_10, %mul3A_11 : i32
      %add3A = arith.constant 0 : i32
      %add3A_13 = arith.addi %add3A, %mul3A_12 : i32
      %dma_start3A = arith.constant 0 : i32
      %dma_start3A_14 = arith.constant 0 : i32
      %dma_start3A_15 = tpu.memref_slice %arg11[%dma_start3A, %dma_start3A_14] : memref<128x128xf32, #tpu.memory_space<vmem>> -> memref<64x128xf32, #tpu.memory_space<vmem>>
      %dma_start3A_16 = arith.constant 0 : i32
      %dma_start3A_17 = tpu.memref_slice %arg8[%add3A_13, %dma_start3A_16] : memref<79x64xi32, #tpu.memory_space<vmem>> -> memref<1x64xi32, #tpu.memory_space<vmem>>
      %dma_start3A_18 = tpu.memref_squeeze %dma_start3A_17 : memref<1x64xi32, #tpu.memory_space<vmem>> -> memref<64xi32, #tpu.memory_space<vmem>>
      %dma_start3A_19 = arith.constant 0 : i32
      %dma_start3A_20 = arith.constant 0 : i32
      %dma_start3A_21 = tpu.memref_slice %arg2[%arg0, %dma_start3A_19, %dma_start3A_20] : memref<2x10240x128xf32, #tpu.memory_space<hbm>> -> memref<1x10240x128xf32, #tpu.memory_space<hbm>>
      %dma_start3A_22 = tpu.memref_squeeze %dma_start3A_21 : memref<1x10240x128xf32, #tpu.memory_space<hbm>> -> memref<10240x128xf32, #tpu.memory_space<hbm>>
      %dma_start3A_23 = arith.constant 0 : i32
      %dma_start3A_24 = arith.constant 0 : i32
      %dma_start3A_25 = tpu.memref_slice %dma_start3A_22[%dma_start3A_23, %dma_start3A_24] : memref<10240x128xf32, #tpu.memory_space<hbm>> -> memref<10240x128xf32, #tpu.memory_space<hbm>>
      tpu.enqueue_indirect_dma source(%dma_start3A_25 : memref<10240x128xf32, #tpu.memory_space<hbm>>) target(%dma_start3A_15 : memref<64x128xf32, #tpu.memory_space<vmem>>) offsets(%dma_start3A_18 : memref<64xi32, #tpu.memory_space<vmem>>) semaphore(%arg13 : memref<!tpu.dma_semaphore, #tpu.memory_space<semaphore_mem>>)
      %dma_start3A_26 = arith.constant 64 : i32
      %dma_start3A_27 = arith.constant 0 : i32
      %dma_start3A_28 = tpu.memref_slice %arg11[%dma_start3A_26, %dma_start3A_27] : memref<128x128xf32, #tpu.memory_space<vmem>> -> memref<64x128xf32, #tpu.memory_space<vmem>>
      %dma_start3A_29 = arith.constant 0 : i32
      %dma_start3A_30 = tpu.memref_slice %arg9[%add3A_13, %dma_start3A_29] : memref<79x64xi32, #tpu.memory_space<vmem>> -> memref<1x64xi32, #tpu.memory_space<vmem>>
      %dma_start3A_31 = tpu.memref_squeeze %dma_start3A_30 : memref<1x64xi32, #tpu.memory_space<vmem>> -> memref<64xi32, #tpu.memory_space<vmem>>
      %dma_start3A_32 = arith.constant 0 : i32
      %dma_start3A_33 = arith.constant 0 : i32
      %dma_start3A_34 = tpu.memref_slice %arg2[%arg0, %dma_start3A_32, %dma_start3A_33] : memref<2x10240x128xf32, #tpu.memory_space<hbm>> -> memref<1x10240x128xf32, #tpu.memory_space<hbm>>
      %dma_start3A_35 = tpu.memref_squeeze %dma_start3A_34 : memref<1x10240x128xf32, #tpu.memory_space<hbm>> -> memref<10240x128xf32, #tpu.memory_space<hbm>>
      %dma_start3A_36 = arith.constant 0 : i32
      %dma_start3A_37 = arith.constant 0 : i32
      %dma_start3A_38 = tpu.memref_slice %dma_start3A_35[%dma_start3A_36, %dma_start3A_37] : memref<10240x128xf32, #tpu.memory_space<hbm>> -> memref<10240x128xf32, #tpu.memory_space<hbm>>
      tpu.enqueue_indirect_dma source(%dma_start3A_38 : memref<10240x128xf32, #tpu.memory_space<hbm>>) target(%dma_start3A_28 : memref<64x128xf32, #tpu.memory_space<vmem>>) offsets(%dma_start3A_31 : memref<64xi32, #tpu.memory_space<vmem>>) semaphore(%arg14 : memref<!tpu.dma_semaphore, #tpu.memory_space<semaphore_mem>>)
      %dma_wait3A = arith.constant 0 : i32
      %dma_wait3A_39 = arith.constant 0 : i32
      %dma_wait3A_40 = tpu.memref_slice %arg11[%dma_wait3A, %dma_wait3A_39] : memref<128x128xf32, #tpu.memory_space<vmem>> -> memref<64x128xf32, #tpu.memory_space<vmem>>
      %dma_wait3A_41 = arith.constant 0 : i32
      %dma_wait3A_42 = tpu.memref_slice %arg8[%add3A_13, %dma_wait3A_41] : memref<79x64xi32, #tpu.memory_space<vmem>> -> memref<1x64xi32, #tpu.memory_space<vmem>>
      %dma_wait3A_43 = tpu.memref_squeeze %dma_wait3A_42 : memref<1x64xi32, #tpu.memory_space<vmem>> -> memref<64xi32, #tpu.memory_space<vmem>>
      %dma_wait3A_44 = arith.constant 0 : i32
      %dma_wait3A_45 = arith.constant 0 : i32
      %dma_wait3A_46 = tpu.memref_slice %arg2[%arg0, %dma_wait3A_44, %dma_wait3A_45] : memref<2x10240x128xf32, #tpu.memory_space<hbm>> -> memref<1x10240x128xf32, #tpu.memory_space<hbm>>
      %dma_wait3A_47 = tpu.memref_squeeze %dma_wait3A_46 : memref<1x10240x128xf32, #tpu.memory_space<hbm>> -> memref<10240x128xf32, #tpu.memory_space<hbm>>
      %dma_wait3A_48 = arith.constant 0 : i32
      %dma_wait3A_49 = arith.constant 0 : i32
      %dma_wait3A_50 = tpu.memref_slice %dma_wait3A_47[%dma_wait3A_48, %dma_wait3A_49] : memref<10240x128xf32, #tpu.memory_space<hbm>> -> memref<10240x128xf32, #tpu.memory_space<hbm>>
      tpu.wait_indirect_dma semaphore(%arg13 : memref<!tpu.dma_semaphore, #tpu.memory_space<semaphore_mem>>) src(%dma_wait3A_50 : memref<10240x128xf32, #tpu.memory_space<hbm>>) dst(%dma_wait3A_40 : memref<64x128xf32, #tpu.memory_space<vmem>>)
      %dma_wait3A_51 = arith.constant 64 : i32
      %dma_wait3A_52 = arith.constant 0 : i32
      %dma_wait3A_53 = tpu.memref_slice %arg11[%dma_wait3A_51, %dma_wait3A_52] : memref<128x128xf32, #tpu.memory_space<vmem>> -> memref<64x128xf32, #tpu.memory_space<vmem>>
      %dma_wait3A_54 = arith.constant 0 : i32
      %dma_wait3A_55 = tpu.memref_slice %arg9[%add3A_13, %dma_wait3A_54] : memref<79x64xi32, #tpu.memory_space<vmem>> -> memref<1x64xi32, #tpu.memory_space<vmem>>
      %dma_wait3A_56 = tpu.memref_squeeze %dma_wait3A_55 : memref<1x64xi32, #tpu.memory_space<vmem>> -> memref<64xi32, #tpu.memory_space<vmem>>
      %dma_wait3A_57 = arith.constant 0 : i32
      %dma_wait3A_58 = arith.constant 0 : i32
      %dma_wait3A_59 = tpu.memref_slice %arg2[%arg0, %dma_wait3A_57, %dma_wait3A_58] : memref<2x10240x128xf32, #tpu.memory_space<hbm>> -> memref<1x10240x128xf32, #tpu.memory_space<hbm>>
      %dma_wait3A_60 = tpu.memref_squeeze %dma_wait3A_59 : memref<1x10240x128xf32, #tpu.memory_space<hbm>> -> memref<10240x128xf32, #tpu.memory_space<hbm>>
      %dma_wait3A_61 = arith.constant 0 : i32
      %dma_wait3A_62 = arith.constant 0 : i32
      %dma_wait3A_63 = tpu.memref_slice %dma_wait3A_60[%dma_wait3A_61, %dma_wait3A_62] : memref<10240x128xf32, #tpu.memory_space<hbm>> -> memref<10240x128xf32, #tpu.memory_space<hbm>>
      tpu.wait_indirect_dma semaphore(%arg14 : memref<!tpu.dma_semaphore, #tpu.memory_space<semaphore_mem>>) src(%dma_wait3A_63 : memref<10240x128xf32, #tpu.memory_space<hbm>>) dst(%dma_wait3A_53 : memref<64x128xf32, #tpu.memory_space<vmem>>)
      %dma_start3A_64 = arith.constant 0 : i32
      %dma_start3A_65 = tpu.memref_slice %arg10[%add3A_13, %dma_start3A_64] : memref<79x128xi32, #tpu.memory_space<vmem>> -> memref<1x128xi32, #tpu.memory_space<vmem>>
      %dma_start3A_66 = tpu.memref_squeeze %dma_start3A_65 : memref<1x128xi32, #tpu.memory_space<vmem>> -> memref<128xi32, #tpu.memory_space<vmem>>
      %dma_start3A_67 = arith.constant 0 : i32
      %dma_start3A_68 = arith.constant 0 : i32
      %dma_start3A_69 = tpu.memref_slice %arg12[%dma_start3A_67, %dma_start3A_68] : memref<10240x128xf32, #tpu.memory_space<vmem_shared>> -> memref<10240x128xf32, #tpu.memory_space<vmem_shared>>
      tpu.enqueue_indirect_dma source(%arg11 : memref<128x128xf32, #tpu.memory_space<vmem>>) target(%dma_start3A_69 : memref<10240x128xf32, #tpu.memory_space<vmem_shared>>) offsets(%dma_start3A_66 : memref<128xi32, #tpu.memory_space<vmem>>) semaphore(%arg15 : memref<!tpu.dma_semaphore, #tpu.memory_space<semaphore_mem>>) {add = true}
      %dma_wait3A_70 = arith.constant 0 : i32
      %dma_wait3A_71 = tpu.memref_slice %arg10[%add3A_13, %dma_wait3A_70] : memref<79x128xi32, #tpu.memory_space<vmem>> -> memref<1x128xi32, #tpu.memory_space<vmem>>
      %dma_wait3A_72 = tpu.memref_squeeze %dma_wait3A_71 : memref<1x128xi32, #tpu.memory_space<vmem>> -> memref<128xi32, #tpu.memory_space<vmem>>
      %dma_wait3A_73 = arith.constant 0 : i32
      %dma_wait3A_74 = arith.constant 0 : i32
      %dma_wait3A_75 = tpu.memref_slice %arg12[%dma_wait3A_73, %dma_wait3A_74] : memref<10240x128xf32, #tpu.memory_space<vmem_shared>> -> memref<10240x128xf32, #tpu.memory_space<vmem_shared>>
      tpu.wait_indirect_dma semaphore(%arg15 : memref<!tpu.dma_semaphore, #tpu.memory_space<semaphore_mem>>) src(%arg11 : memref<128x128xf32, #tpu.memory_space<vmem>>) dst(%dma_wait3A_75 : memref<10240x128xf32, #tpu.memory_space<vmem_shared>>)
    }
    %scan3A_4 = arith.constant 79 : i32
    %barrier3A_5 = arith.constant 0 : index
    tpu.barrier barrier_id(%barrier3A_5)
    %mul3A_6 = arith.constant 640 : i32
    %mul3A_7 = arith.muli %arg1, %mul3A_6 : i32
    %mul3A_8 = arith.constant 640 : i32
    %mul3A_9 = arith.muli %arg1, %mul3A_8 : i32
    "tpu.region"() ({
      %run_scoped3A = tpu.sem_alloc : memref<!tpu.dma_semaphore, #tpu.memory_space<semaphore_mem>>
      %dma_start3A = arith.constant 0 : i32
      %dma_start3A_10 = tpu.memref_slice %arg7[%arg0, %mul3A_9, %dma_start3A] : memref<2x10240x128xf32, #tpu.memory_space<hbm>> -> memref<1x640x128xf32, #tpu.memory_space<hbm>>
      %dma_start3A_11 = tpu.memref_squeeze %dma_start3A_10 : memref<1x640x128xf32, #tpu.memory_space<hbm>> -> memref<640x128xf32, #tpu.memory_space<hbm>>
      %dma_start3A_12 = arith.constant 0 : i32
      %dma_start3A_13 = tpu.memref_slice %arg12[%mul3A_7, %dma_start3A_12] : memref<10240x128xf32, #tpu.memory_space<vmem_shared>> -> memref<640x128xf32, #tpu.memory_space<vmem_shared>>
      tpu.enqueue_dma source(%dma_start3A_13 : memref<640x128xf32, #tpu.memory_space<vmem_shared>>) target(%dma_start3A_11 : memref<640x128xf32, #tpu.memory_space<hbm>>) target_semaphore(%run_scoped3A : memref<!tpu.dma_semaphore, #tpu.memory_space<semaphore_mem>>)
      %dma_wait3A = arith.constant 0 : i32
      %dma_wait3A_14 = tpu.memref_slice %arg7[%arg0, %mul3A_9, %dma_wait3A] : memref<2x10240x128xf32, #tpu.memory_space<hbm>> -> memref<1x640x128xf32, #tpu.memory_space<hbm>>
      %dma_wait3A_15 = tpu.memref_squeeze %dma_wait3A_14 : memref<1x640x128xf32, #tpu.memory_space<hbm>> -> memref<640x128xf32, #tpu.memory_space<hbm>>
      %dma_wait3A_16 = arith.constant 0 : i32
      %dma_wait3A_17 = tpu.memref_slice %arg12[%mul3A_7, %dma_wait3A_16] : memref<10240x128xf32, #tpu.memory_space<vmem_shared>> -> memref<640x128xf32, #tpu.memory_space<vmem_shared>>
      tpu.wait_dma2 semaphore(%run_scoped3A : memref<!tpu.dma_semaphore, #tpu.memory_space<semaphore_mem>>) src(%dma_wait3A_17 : memref<640x128xf32, #tpu.memory_space<vmem_shared>>) dst(%dma_wait3A_15 : memref<640x128xf32, #tpu.memory_space<hbm>>)
      tpu.yield
    }) : () -> ()
    return
  }
}

module attributes {stable_mosaic.version = 14 : i64} {
  func.func @_mm1_body(%arg0: i32, %arg1: memref<1024x256xf32, #tpu.memory_space<vmem>>, %arg2: memref<2x1024x128xf32, #tpu.memory_space<vmem>>, %arg3: memref<256x256xf32, #tpu.memory_space<vmem>>, %arg4: memref<2x1024x128xf32, #tpu.memory_space<vmem>>) attributes {dimension_semantics = [#tpu.dimension_semantics<arbitrary>], iteration_bounds = array<i64: 10>, scalar_prefetch = 0 : i64, scratch_operands = 0 : i64, tpu.core_type = #tpu.core_type<tc>, window_params = [{transform_indices = @transform_0, window_bounds = array<i64: 1024, 256>}, {transform_indices = @transform_1, window_bounds = array<i64: 2, 1024, 128>}, {pipeline_mode = #tpu.pipeline_mode<synchronous>, transform_indices = @transform_2, window_bounds = array<i64: 256, 256>}, {transform_indices = @transform_3, window_bounds = array<i64: 2, 1024, 128>}]} {
    %get3A = arith.constant 0 : index
    %get3A_0 = arith.constant 0 : index
    %get3A_1 = arith.constant 0 : index
    %get3A_2 = vector.load %arg2[%get3A, %get3A_0, %get3A_1] : memref<2x1024x128xf32, #tpu.memory_space<vmem>>, vector<1x1024x128xf32>
    %get3A_3 = vector.shape_cast %get3A_2 : vector<1x1024x128xf32> to vector<1024x128xf32>
    %add3A = arith.constant 1.000000e+00 : f32
    %add3A_4 = vector.broadcast %add3A : f32 to vector<1024x128xf32>
    %add3A_5 = arith.addf %get3A_3, %add3A_4 : vector<1024x128xf32>
    %slice3A = vector.extract_strided_slice %add3A_5 {offsets = [0, 0], sizes = [1024, 1], strides = [1, 1]} : vector<1024x128xf32> to vector<1024x1xf32>
    %rsqrt3A = math.rsqrt %slice3A : vector<1024x1xf32>
    %get3A_6 = arith.constant 0 : index
    %get3A_7 = arith.constant 0 : index
    %get3A_8 = vector.load %arg1[%get3A_6, %get3A_7] : memref<1024x256xf32, #tpu.memory_space<vmem>>, vector<1024x256xf32>
    %get3A_9 = arith.constant 0 : index
    %get3A_10 = arith.constant 0 : index
    %get3A_11 = vector.load %arg3[%get3A_9, %get3A_10] : memref<256x256xf32, #tpu.memory_space<vmem>>, vector<256x256xf32>
    %dot_general3A = arith.constant dense<0.000000e+00> : vector<1024x256xf32>
    %dot_general3A_12 = tpu.matmul %get3A_8, %get3A_11, %dot_general3A {dimension_numbers = #tpu.dot_dimension_numbers<[1], [0], [0], [1], [0, 0, 1, 1], [], []>, transpose_lhs_hint = false} : vector<1024x256xf32>, vector<256x256xf32>, vector<1024x256xf32> -> vector<1024x256xf32>
    %mul3A = vector.broadcast %rsqrt3A : vector<1024x1xf32> to vector<1024x256xf32>
    %mul3A_13 = arith.mulf %dot_general3A_12, %mul3A : vector<1024x256xf32>
    %slice3A_14 = vector.extract_strided_slice %mul3A_13 {offsets = [0, 0], sizes = [1024, 128], strides = [1, 1]} : vector<1024x256xf32> to vector<1024x128xf32>
    %swap3A = arith.constant 0 : index
    %swap3A_15 = arith.constant 0 : index
    %swap3A_16 = arith.constant 0 : index
    %swap3A_17 = vector.load %arg4[%swap3A, %swap3A_15, %swap3A_16] : memref<2x1024x128xf32, #tpu.memory_space<vmem>>, vector<1x1024x128xf32>
    %swap3A_18 = vector.shape_cast %swap3A_17 : vector<1x1024x128xf32> to vector<1024x128xf32>
    %swap3A_19 = vector.shape_cast %slice3A_14 : vector<1024x128xf32> to vector<1x1024x128xf32>
    tpu.vector_store %arg4[%swap3A, %swap3A_15, %swap3A_16], %swap3A_19 {strides = array<i32>} : memref<2x1024x128xf32, #tpu.memory_space<vmem>>, vector<1x1024x128xf32>,
    %slice3A_20 = vector.extract_strided_slice %mul3A_13 {offsets = [0, 128], sizes = [1024, 128], strides = [1, 1]} : vector<1024x256xf32> to vector<1024x128xf32>
    %swap3A_21 = arith.constant 1 : index
    %swap3A_22 = arith.constant 0 : index
    %swap3A_23 = arith.constant 0 : index
    %swap3A_24 = vector.load %arg4[%swap3A_21, %swap3A_22, %swap3A_23] : memref<2x1024x128xf32, #tpu.memory_space<vmem>>, vector<1x1024x128xf32>
    %swap3A_25 = vector.shape_cast %swap3A_24 : vector<1x1024x128xf32> to vector<1024x128xf32>
    %swap3A_26 = vector.shape_cast %slice3A_20 : vector<1024x128xf32> to vector<1x1024x128xf32>
    tpu.vector_store %arg4[%swap3A_21, %swap3A_22, %swap3A_23], %swap3A_26 {strides = array<i32>} : memref<2x1024x128xf32, #tpu.memory_space<vmem>>, vector<1x1024x128xf32>,
    return
  }
  func.func @transform_0(%arg0: i32) -> (i32, i32) {
    %c0_i32 = arith.constant 0 : i32
    %c0_i32_0 = arith.constant 0 : i32
    return %arg0, %c0_i32 : i32, i32
  }
  func.func @transform_1(%arg0: i32) -> (i32, i32, i32) {
    %c0_i32 = arith.constant 0 : i32
    %c0_i32_0 = arith.constant 0 : i32
    %c0_i32_1 = arith.constant 0 : i32
    return %c0_i32, %arg0, %c0_i32_0 : i32, i32, i32
  }
  func.func @transform_2(%arg0: i32) -> (i32, i32) {
    %c0_i32 = arith.constant 0 : i32
    %c0_i32_0 = arith.constant 0 : i32
    %c0_i32_1 = arith.constant 0 : i32
    return %c0_i32, %c0_i32_0 : i32, i32
  }
  func.func @transform_3(%arg0: i32) -> (i32, i32, i32) {
    %c0_i32 = arith.constant 0 : i32
    %c0_i32_0 = arith.constant 0 : i32
    %c0_i32_1 = arith.constant 0 : i32
    return %c0_i32, %arg0, %c0_i32_0 : i32, i32, i32
  }
}

module attributes {stable_mosaic.version = 14 : i64} {
  func.func @_mid_body(%arg0: i32, %arg1: memref<2x1024x128xf32, #tpu.memory_space<vmem>>, %arg2: memref<2x1024x128xf32, #tpu.memory_space<vmem>>, %arg3: memref<2x1024x128xf32, #tpu.memory_space<vmem>>, %arg4: memref<1x256xf32, #tpu.memory_space<vmem>>, %arg5: memref<256x256xf32, #tpu.memory_space<vmem>>, %arg6: memref<2x1024x128xf32, #tpu.memory_space<vmem>>) attributes {dimension_semantics = [#tpu.dimension_semantics<arbitrary>], iteration_bounds = array<i64: 10>, scalar_prefetch = 0 : i64, scratch_operands = 0 : i64, tpu.core_type = #tpu.core_type<tc>, window_params = [{transform_indices = @transform_0, window_bounds = array<i64: 2, 1024, 128>}, {transform_indices = @transform_1, window_bounds = array<i64: 2, 1024, 128>}, {transform_indices = @transform_2, window_bounds = array<i64: 2, 1024, 128>}, {pipeline_mode = #tpu.pipeline_mode<synchronous>, transform_indices = @transform_3, window_bounds = array<i64: 1, 256>}, {pipeline_mode = #tpu.pipeline_mode<synchronous>, transform_indices = @transform_4, window_bounds = array<i64: 256, 256>}, {transform_indices = @transform_5, window_bounds = array<i64: 2, 1024, 128>}]} {
    %get3A = arith.constant 0 : index
    %get3A_0 = arith.constant 0 : index
    %get3A_1 = arith.constant 0 : index
    %get3A_2 = vector.load %arg3[%get3A, %get3A_0, %get3A_1] : memref<2x1024x128xf32, #tpu.memory_space<vmem>>, vector<1x1024x128xf32>
    %get3A_3 = vector.shape_cast %get3A_2 : vector<1x1024x128xf32> to vector<1024x128xf32>
    %add3A = arith.constant 1.000000e+00 : f32
    %add3A_4 = vector.broadcast %add3A : f32 to vector<1024x128xf32>
    %add3A_5 = arith.addf %get3A_3, %add3A_4 : vector<1024x128xf32>
    %slice3A = vector.extract_strided_slice %add3A_5 {offsets = [0, 0], sizes = [1024, 1], strides = [1, 1]} : vector<1024x128xf32> to vector<1024x1xf32>
    %rsqrt3A = math.rsqrt %slice3A : vector<1024x1xf32>
    %get3A_6 = arith.constant 0 : index
    %get3A_7 = arith.constant 0 : index
    %get3A_8 = arith.constant 0 : index
    %get3A_9 = vector.load %arg1[%get3A_6, %get3A_7, %get3A_8] : memref<2x1024x128xf32, #tpu.memory_space<vmem>>, vector<1x1024x128xf32>
    %get3A_10 = vector.shape_cast %get3A_9 : vector<1x1024x128xf32> to vector<1024x128xf32>
    %get3A_11 = arith.constant 0 : index
    %get3A_12 = arith.constant 0 : index
    %get3A_13 = arith.constant 0 : index
    %get3A_14 = vector.load %arg2[%get3A_11, %get3A_12, %get3A_13] : memref<2x1024x128xf32, #tpu.memory_space<vmem>>, vector<1x1024x128xf32>
    %get3A_15 = vector.shape_cast %get3A_14 : vector<1x1024x128xf32> to vector<1024x128xf32>
    %add3A_16 = arith.addf %get3A_10, %get3A_15 : vector<1024x128xf32>
    %get3A_17 = arith.constant 1 : index
    %get3A_18 = arith.constant 0 : index
    %get3A_19 = arith.constant 0 : index
    %get3A_20 = vector.load %arg1[%get3A_17, %get3A_18, %get3A_19] : memref<2x1024x128xf32, #tpu.memory_space<vmem>>, vector<1x1024x128xf32>
    %get3A_21 = vector.shape_cast %get3A_20 : vector<1x1024x128xf32> to vector<1024x128xf32>
    %get3A_22 = arith.constant 1 : index
    %get3A_23 = arith.constant 0 : index
    %get3A_24 = arith.constant 0 : index
    %get3A_25 = vector.load %arg2[%get3A_22, %get3A_23, %get3A_24] : memref<2x1024x128xf32, #tpu.memory_space<vmem>>, vector<1x1024x128xf32>
    %get3A_26 = vector.shape_cast %get3A_25 : vector<1x1024x128xf32> to vector<1024x128xf32>
    %add3A_27 = arith.addf %get3A_21, %get3A_26 : vector<1024x128xf32>
    %concatenate3A = tpu.concatenate %add3A_16, %add3A_27 in 1 : vector<1024x128xf32>, vector<1024x128xf32> -> vector<1024x256xf32>
    %mul3A = vector.broadcast %rsqrt3A : vector<1024x1xf32> to vector<1024x256xf32>
    %mul3A_28 = arith.mulf %concatenate3A, %mul3A : vector<1024x256xf32>
    %get3A_29 = arith.constant 0 : index
    %get3A_30 = arith.constant 0 : index
    %get3A_31 = vector.load %arg4[%get3A_29, %get3A_30] : memref<1x256xf32, #tpu.memory_space<vmem>>, vector<1x256xf32>
    %add3A_32 = vector.broadcast %get3A_31 : vector<1x256xf32> to vector<1024x256xf32>
    %add3A_33 = arith.addf %mul3A_28, %add3A_32 : vector<1024x256xf32>
    %max3A = arith.constant 0.000000e+00 : f32
    %max3A_34 = vector.broadcast %max3A : f32 to vector<1024x256xf32>
    %max3A_35 = arith.maximumf %add3A_33, %max3A_34 : vector<1024x256xf32>
    %get3A_36 = arith.constant 0 : index
    %get3A_37 = arith.constant 0 : index
    %get3A_38 = vector.load %arg5[%get3A_36, %get3A_37] : memref<256x256xf32, #tpu.memory_space<vmem>>, vector<256x256xf32>
    %dot_general3A = arith.constant dense<0.000000e+00> : vector<1024x256xf32>
    %dot_general3A_39 = tpu.matmul %max3A_35, %get3A_38, %dot_general3A {dimension_numbers = #tpu.dot_dimension_numbers<[1], [0], [0], [1], [0, 0, 1, 1], [], []>, transpose_lhs_hint = false} : vector<1024x256xf32>, vector<256x256xf32>, vector<1024x256xf32> -> vector<1024x256xf32>
    %mul3A_40 = vector.broadcast %rsqrt3A : vector<1024x1xf32> to vector<1024x256xf32>
    %mul3A_41 = arith.mulf %dot_general3A_39, %mul3A_40 : vector<1024x256xf32>
    %slice3A_42 = vector.extract_strided_slice %mul3A_41 {offsets = [0, 0], sizes = [1024, 128], strides = [1, 1]} : vector<1024x256xf32> to vector<1024x128xf32>
    %swap3A = arith.constant 0 : index
    %swap3A_43 = arith.constant 0 : index
    %swap3A_44 = arith.constant 0 : index
    %swap3A_45 = vector.load %arg6[%swap3A, %swap3A_43, %swap3A_44] : memref<2x1024x128xf32, #tpu.memory_space<vmem>>, vector<1x1024x128xf32>
    %swap3A_46 = vector.shape_cast %swap3A_45 : vector<1x1024x128xf32> to vector<1024x128xf32>
    %swap3A_47 = vector.shape_cast %slice3A_42 : vector<1024x128xf32> to vector<1x1024x128xf32>
    tpu.vector_store %arg6[%swap3A, %swap3A_43, %swap3A_44], %swap3A_47 {strides = array<i32>} : memref<2x1024x128xf32, #tpu.memory_space<vmem>>, vector<1x1024x128xf32>,
    %slice3A_48 = vector.extract_strided_slice %mul3A_41 {offsets = [0, 128], sizes = [1024, 128], strides = [1, 1]} : vector<1024x256xf32> to vector<1024x128xf32>
    %swap3A_49 = arith.constant 1 : index
    %swap3A_50 = arith.constant 0 : index
    %swap3A_51 = arith.constant 0 : index
    %swap3A_52 = vector.load %arg6[%swap3A_49, %swap3A_50, %swap3A_51] : memref<2x1024x128xf32, #tpu.memory_space<vmem>>, vector<1x1024x128xf32>
    %swap3A_53 = vector.shape_cast %swap3A_52 : vector<1x1024x128xf32> to vector<1024x128xf32>
    %swap3A_54 = vector.shape_cast %slice3A_48 : vector<1024x128xf32> to vector<1x1024x128xf32>
    tpu.vector_store %arg6[%swap3A_49, %swap3A_50, %swap3A_51], %swap3A_54 {strides = array<i32>} : memref<2x1024x128xf32, #tpu.memory_space<vmem>>, vector<1x1024x128xf32>,
    return
  }
  func.func @transform_0(%arg0: i32) -> (i32, i32, i32) {
    %c0_i32 = arith.constant 0 : i32
    %c0_i32_0 = arith.constant 0 : i32
    %c0_i32_1 = arith.constant 0 : i32
    return %c0_i32, %arg0, %c0_i32_0 : i32, i32, i32
  }
  func.func @transform_1(%arg0: i32) -> (i32, i32, i32) {
    %c0_i32 = arith.constant 0 : i32
    %c0_i32_0 = arith.constant 0 : i32
    %c0_i32_1 = arith.constant 0 : i32
    return %c0_i32, %arg0, %c0_i32_0 : i32, i32, i32
  }
  func.func @transform_2(%arg0: i32) -> (i32, i32, i32) {
    %c0_i32 = arith.constant 0 : i32
    %c0_i32_0 = arith.constant 0 : i32
    %c0_i32_1 = arith.constant 0 : i32
    return %c0_i32, %arg0, %c0_i32_0 : i32, i32, i32
  }
  func.func @transform_3(%arg0: i32) -> (i32, i32) {
    %c0_i32 = arith.constant 0 : i32
    %c0_i32_0 = arith.constant 0 : i32
    %c0_i32_1 = arith.constant 0 : i32
    return %c0_i32, %c0_i32_0 : i32, i32
  }
  func.func @transform_4(%arg0: i32) -> (i32, i32) {
    %c0_i32 = arith.constant 0 : i32
    %c0_i32_0 = arith.constant 0 : i32
    %c0_i32_1 = arith.constant 0 : i32
    return %c0_i32, %c0_i32_0 : i32, i32
  }
  func.func @transform_5(%arg0: i32) -> (i32, i32, i32) {
    %c0_i32 = arith.constant 0 : i32
    %c0_i32_0 = arith.constant 0 : i32
    %c0_i32_1 = arith.constant 0 : i32
    return %c0_i32, %arg0, %c0_i32_0 : i32, i32, i32
  }
}

module attributes {stable_mosaic.version = 14 : i64} {
  func.func @_head_body(%arg0: i32, %arg1: memref<2x1024x128xf32, #tpu.memory_space<vmem>>, %arg2: memref<2x1024x128xf32, #tpu.memory_space<vmem>>, %arg3: memref<2x1024x128xf32, #tpu.memory_space<vmem>>, %arg4: memref<1x256xf32, #tpu.memory_space<vmem>>, %arg5: memref<256x128xf32, #tpu.memory_space<vmem>>, %arg6: memref<1x128xf32, #tpu.memory_space<vmem>>, %arg7: memref<128x1xf32, #tpu.memory_space<vmem>>, %arg8: memref<1x1xf32, #tpu.memory_space<vmem>>, %arg9: memref<1024x1xf32, #tpu.memory_space<vmem>>) attributes {dimension_semantics = [#tpu.dimension_semantics<arbitrary>], iteration_bounds = array<i64: 10>, scalar_prefetch = 0 : i64, scratch_operands = 0 : i64, tpu.core_type = #tpu.core_type<tc>, window_params = [{transform_indices = @transform_0, window_bounds = array<i64: 2, 1024, 128>}, {transform_indices = @transform_1, window_bounds = array<i64: 2, 1024, 128>}, {transform_indices = @transform_2, window_bounds = array<i64: 2, 1024, 128>}, {pipeline_mode = #tpu.pipeline_mode<synchronous>, transform_indices = @transform_3, window_bounds = array<i64: 1, 256>}, {pipeline_mode = #tpu.pipeline_mode<synchronous>, transform_indices = @transform_4, window_bounds = array<i64: 256, 128>}, {pipeline_mode = #tpu.pipeline_mode<synchronous>, transform_indices = @transform_5, window_bounds = array<i64: 1, 128>}, {pipeline_mode = #tpu.pipeline_mode<synchronous>, transform_indices = @transform_6, window_bounds = array<i64: 128, 1>}, {pipeline_mode = #tpu.pipeline_mode<synchronous>, transform_indices = @transform_7, window_bounds = array<i64: 1, 1>}, {transform_indices = @transform_8, window_bounds = array<i64: 1024, 1>}]} {
    %get3A = arith.constant 0 : index
    %get3A_0 = arith.constant 0 : index
    %get3A_1 = arith.constant 0 : index
    %get3A_2 = vector.load %arg3[%get3A, %get3A_0, %get3A_1] : memref<2x1024x128xf32, #tpu.memory_space<vmem>>, vector<1x1024x128xf32>
    %get3A_3 = vector.shape_cast %get3A_2 : vector<1x1024x128xf32> to vector<1024x128xf32>
    %add3A = arith.constant 1.000000e+00 : f32
    %add3A_4 = vector.broadcast %add3A : f32 to vector<1024x128xf32>
    %add3A_5 = arith.addf %get3A_3, %add3A_4 : vector<1024x128xf32>
    %slice3A = vector.extract_strided_slice %add3A_5 {offsets = [0, 0], sizes = [1024, 1], strides = [1, 1]} : vector<1024x128xf32> to vector<1024x1xf32>
    %rsqrt3A = math.rsqrt %slice3A : vector<1024x1xf32>
    %get3A_6 = arith.constant 0 : index
    %get3A_7 = arith.constant 0 : index
    %get3A_8 = arith.constant 0 : index
    %get3A_9 = vector.load %arg1[%get3A_6, %get3A_7, %get3A_8] : memref<2x1024x128xf32, #tpu.memory_space<vmem>>, vector<1x1024x128xf32>
    %get3A_10 = vector.shape_cast %get3A_9 : vector<1x1024x128xf32> to vector<1024x128xf32>
    %get3A_11 = arith.constant 0 : index
    %get3A_12 = arith.constant 0 : index
    %get3A_13 = arith.constant 0 : index
    %get3A_14 = vector.load %arg2[%get3A_11, %get3A_12, %get3A_13] : memref<2x1024x128xf32, #tpu.memory_space<vmem>>, vector<1x1024x128xf32>
    %get3A_15 = vector.shape_cast %get3A_14 : vector<1x1024x128xf32> to vector<1024x128xf32>
    %add3A_16 = arith.addf %get3A_10, %get3A_15 : vector<1024x128xf32>
    %get3A_17 = arith.constant 1 : index
    %get3A_18 = arith.constant 0 : index
    %get3A_19 = arith.constant 0 : index
    %get3A_20 = vector.load %arg1[%get3A_17, %get3A_18, %get3A_19] : memref<2x1024x128xf32, #tpu.memory_space<vmem>>, vector<1x1024x128xf32>
    %get3A_21 = vector.shape_cast %get3A_20 : vector<1x1024x128xf32> to vector<1024x128xf32>
    %get3A_22 = arith.constant 1 : index
    %get3A_23 = arith.constant 0 : index
    %get3A_24 = arith.constant 0 : index
    %get3A_25 = vector.load %arg2[%get3A_22, %get3A_23, %get3A_24] : memref<2x1024x128xf32, #tpu.memory_space<vmem>>, vector<1x1024x128xf32>
    %get3A_26 = vector.shape_cast %get3A_25 : vector<1x1024x128xf32> to vector<1024x128xf32>
    %add3A_27 = arith.addf %get3A_21, %get3A_26 : vector<1024x128xf32>
    %concatenate3A = tpu.concatenate %add3A_16, %add3A_27 in 1 : vector<1024x128xf32>, vector<1024x128xf32> -> vector<1024x256xf32>
    %mul3A = vector.broadcast %rsqrt3A : vector<1024x1xf32> to vector<1024x256xf32>
    %mul3A_28 = arith.mulf %concatenate3A, %mul3A : vector<1024x256xf32>
    %get3A_29 = arith.constant 0 : index
    %get3A_30 = arith.constant 0 : index
    %get3A_31 = vector.load %arg4[%get3A_29, %get3A_30] : memref<1x256xf32, #tpu.memory_space<vmem>>, vector<1x256xf32>
    %add3A_32 = vector.broadcast %get3A_31 : vector<1x256xf32> to vector<1024x256xf32>
    %add3A_33 = arith.addf %mul3A_28, %add3A_32 : vector<1024x256xf32>
    %max3A = arith.constant 0.000000e+00 : f32
    %max3A_34 = vector.broadcast %max3A : f32 to vector<1024x256xf32>
    %max3A_35 = arith.maximumf %add3A_33, %max3A_34 : vector<1024x256xf32>
    %get3A_36 = arith.constant 0 : index
    %get3A_37 = arith.constant 0 : index
    %get3A_38 = vector.load %arg5[%get3A_36, %get3A_37] : memref<256x128xf32, #tpu.memory_space<vmem>>, vector<256x128xf32>
    %dot_general3A = arith.constant dense<0.000000e+00> : vector<1024x128xf32>
    %dot_general3A_39 = tpu.matmul %max3A_35, %get3A_38, %dot_general3A {dimension_numbers = #tpu.dot_dimension_numbers<[1], [0], [0], [1], [0, 0, 1, 1], [], []>, transpose_lhs_hint = false} : vector<1024x256xf32>, vector<256x128xf32>, vector<1024x128xf32> -> vector<1024x128xf32>
    %get3A_40 = arith.constant 0 : index
    %get3A_41 = arith.constant 0 : index
    %get3A_42 = vector.load %arg6[%get3A_40, %get3A_41] : memref<1x128xf32, #tpu.memory_space<vmem>>, vector<1x128xf32>
    %add3A_43 = vector.broadcast %get3A_42 : vector<1x128xf32> to vector<1024x128xf32>
    %add3A_44 = arith.addf %dot_general3A_39, %add3A_43 : vector<1024x128xf32>
    %max3A_45 = arith.constant 0.000000e+00 : f32
    %max3A_46 = vector.broadcast %max3A_45 : f32 to vector<1024x128xf32>
    %max3A_47 = arith.maximumf %add3A_44, %max3A_46 : vector<1024x128xf32>
    %get3A_48 = arith.constant 0 : index
    %get3A_49 = arith.constant 0 : index
    %get3A_50 = vector.load %arg7[%get3A_48, %get3A_49] : memref<128x1xf32, #tpu.memory_space<vmem>>, vector<128x1xf32>
    %dot_general3A_51 = arith.constant dense<0.000000e+00> : vector<1024x1xf32>
    %dot_general3A_52 = tpu.matmul %max3A_47, %get3A_50, %dot_general3A_51 {dimension_numbers = #tpu.dot_dimension_numbers<[1], [0], [0], [1], [0, 0, 1, 1], [], []>, transpose_lhs_hint = false} : vector<1024x128xf32>, vector<128x1xf32>, vector<1024x1xf32> -> vector<1024x1xf32>
    %get3A_53 = arith.constant 0 : index
    %get3A_54 = arith.constant 0 : index
    %get3A_55 = vector.load %arg8[%get3A_53, %get3A_54] : memref<1x1xf32, #tpu.memory_space<vmem>>, vector<1x1xf32>
    %add3A_56 = vector.broadcast %get3A_55 : vector<1x1xf32> to vector<1024x1xf32>
    %add3A_57 = arith.addf %dot_general3A_52, %add3A_56 : vector<1024x1xf32>
    %swap3A = arith.constant 0 : index
    %swap3A_58 = arith.constant 0 : index
    %swap3A_59 = vector.load %arg9[%swap3A, %swap3A_58] : memref<1024x1xf32, #tpu.memory_space<vmem>>, vector<1024x1xf32>
    tpu.vector_store %arg9[%swap3A, %swap3A_58], %add3A_57 {strides = array<i32>} : memref<1024x1xf32, #tpu.memory_space<vmem>>, vector<1024x1xf32>,
    return
  }
  func.func @transform_0(%arg0: i32) -> (i32, i32, i32) {
    %c0_i32 = arith.constant 0 : i32
    %c0_i32_0 = arith.constant 0 : i32
    %c0_i32_1 = arith.constant 0 : i32
    return %c0_i32, %arg0, %c0_i32_0 : i32, i32, i32
  }
  func.func @transform_1(%arg0: i32) -> (i32, i32, i32) {
    %c0_i32 = arith.constant 0 : i32
    %c0_i32_0 = arith.constant 0 : i32
    %c0_i32_1 = arith.constant 0 : i32
    return %c0_i32, %arg0, %c0_i32_0 : i32, i32, i32
  }
  func.func @transform_2(%arg0: i32) -> (i32, i32, i32) {
    %c0_i32 = arith.constant 0 : i32
    %c0_i32_0 = arith.constant 0 : i32
    %c0_i32_1 = arith.constant 0 : i32
    return %c0_i32, %arg0, %c0_i32_0 : i32, i32, i32
  }
  func.func @transform_3(%arg0: i32) -> (i32, i32) {
    %c0_i32 = arith.constant 0 : i32
    %c0_i32_0 = arith.constant 0 : i32
    %c0_i32_1 = arith.constant 0 : i32
    return %c0_i32, %c0_i32_0 : i32, i32
  }
  func.func @transform_4(%arg0: i32) -> (i32, i32) {
    %c0_i32 = arith.constant 0 : i32
    %c0_i32_0 = arith.constant 0 : i32
    %c0_i32_1 = arith.constant 0 : i32
    return %c0_i32, %c0_i32_0 : i32, i32
  }
  func.func @transform_5(%arg0: i32) -> (i32, i32) {
    %c0_i32 = arith.constant 0 : i32
    %c0_i32_0 = arith.constant 0 : i32
    %c0_i32_1 = arith.constant 0 : i32
    return %c0_i32, %c0_i32_0 : i32, i32
  }
  func.func @transform_6(%arg0: i32) -> (i32, i32) {
    %c0_i32 = arith.constant 0 : i32
    %c0_i32_0 = arith.constant 0 : i32
    %c0_i32_1 = arith.constant 0 : i32
    return %c0_i32, %c0_i32_0 : i32, i32
  }
  func.func @transform_7(%arg0: i32) -> (i32, i32) {
    %c0_i32 = arith.constant 0 : i32
    %c0_i32_0 = arith.constant 0 : i32
    %c0_i32_1 = arith.constant 0 : i32
    return %c0_i32, %c0_i32_0 : i32, i32
  }
  func.func @transform_8(%arg0: i32) -> (i32, i32) {
    %c0_i32 = arith.constant 0 : i32
    %c0_i32_0 = arith.constant 0 : i32
    return %arg0, %c0_i32 : i32, i32
  }
}

</mosaic_0001>

<sc_bundles>
// kernel: kernel.11.cloned.1.call-start
scs
__scs_entry_jumppad:
0x0: {  	(pc) =	sbr.rel $0x88, $3  }
0x1: {  	(tag) =	ssettag $0x0;
	lr =	simm.s32 $0x1  }
0x2: {  	[smem:$0x3F97] =	sst lr;
	_ =	strace $0xD0000000  }
0x3: {  	_ = 	snop  }
0x4: {  	_ = 	snop  }
0x5: {  	_ = 	snop  }
0x6: {  	_ = 	snop  }
0x7: {  	_ = 	snop  }
__scs_overlays_trampoline_lowered:
0x8: {  	[smem:$0x3FA6] =	sst s0  }
0x9: {  	[smem:$0x3FA7] =	sst s1  }
0xa: {  	[smem:$0x3FA8] =	sst s2  }
0xb: {  	[smem:$0x3FA9] =	sst s3  }
0xc: {  	[smem:$0x3FAA] =	sst s4  }
0xd: {  	[smem:$0x3FAB] =	sst s5  }
0xe: {  	[smem:$0x3FAC] =	sst s6  }
0xf: {  	[smem:$0x3FAD] =	sst s7  }
0x10: {  	[smem:$0x3FAE] =	sst s8  }
0x11: {  	[smem:$0x3FAF] =	sst s9;
	s0 =	simm.s32 @!p0 $0x0  }
0x12: {  	s1 =	sld [smem:$0x3F95];
	s0 =	simm.s32 @p0 $0x1  }
0x13: {  	[smem:$0x3FB0] =	sst s0;
	s0 =	simm.s32 @!p1 $0x0  }
0x14: {  	s2 =	sld [smem:$0x3F94];
	s0 =	simm.s32 @p1 $0x1  }
0x15: {  	[smem:$0x3FB1] =	sst s0;
	s0 =	simm.s32 @!p2 $0x0  }
0x16: {  	s3 =	sld [smem:$0x3FDB];
	s0 =	simm.s32 @p2 $0x1  }
0x17: {  	s4 =	simm.s32 $0x1BF5;
	[smem:$0x3FB3] =	sst s0  }
0x18: {  	s0 =	sld [smem:$0x3F96];
	_ =	swait.ge [sflag:s4], $0x0  }
0x19: {  	s7 =	sld [smem:$0x3F97]  }
0x1a: {  	s8 =	sadd.s32 $0xFFFFE003, lr  }
0x1b: {  	s9 =	sadd.s32 $0xFFFFFEF7, lr;
	s5 =	simm.s32 $0xFFFFFFFF;
	p2 =	slt.u32 s8, $0xFFFFF086  }
0x1c: {  	p1 =	slt.u32 s9, $0xF7A;
	s5 =	simm.s32 @!p2 $0x0  }
0x1d: {  	s5 =	simm.s32 @p1 $0x1;
	p0 =	seq.s32 s7, s2  }
0x1e: {  	s7 =	smul.u32 @!p0 $0xF7A, s2;
	p2 =	seq.s32 @!p0 s5, $0x0  }
0x1f: {  	s9 =	smul.u32 $0xF7A, s1;
	s8 =	simm.s32 @!p0 $0x1BF5;
	p2 =	por !p2, p0  }
0x20: {  	[sflag:s8] =	ssyncset.s32 @!p0 $0xFFFFF086;
	s6 =	sadd.s32 @!p0 s3, s7;
	s7 =	simm.s32 @!p0 $0x108  }
0x21: {  	s3 =	sadd.s32 s3, s9;
	s6 =	sadd.s32 @!p0 $0x88, s6;
	s7 =	simm.s32 @p2 $0x1082  }
0x22: {  	[simem:s7], [sflag:s8] =	dma.local @!p0 [hbm:s6], $0xF7A  }
0x23: {  	s9 =	sor.u32 $0xD0000000, s2;
	s6 =	simm.s32 $0x108;
	_ =	swait.ge @!p0 [sflag:s8], $0x0  }
0x24: {  	s3 =	sadd.s32 $0x88, s3;
	s6 =	simm.s32 @!p1 $0x1082;
	[sflag:s4] =	ssyncset.s32 $0xFFFFF086  }
0x25: {  	[simem:s6], [sflag:s4] =	dma.local [hbm:s3], $0xF7A  }
0x26: {  	[smem:$0x3F97] =	sst s1;
	(tag) =	ssettag s2;
	_ =	strace s9  }
0x27: {  	s1 =	sld [smem:$0x3FA7]  }
0x28: {  	s2 =	sld [smem:$0x3FA8]  }
0x29: {  	s4 =	sld [smem:$0x3FAA]  }
0x2a: {  	p0 =	seq.s32 s5, $0x0;
	s5 =	sld [smem:$0x3FAB]  }
0x2b: {  	s6 =	sld [smem:$0x3FAC]  }
0x2c: {  	s7 =	sld [smem:$0x3FAD]  }
0x2d: {  	s3 =	simm.s32 $0x108;
	s8 =	sld [smem:$0x3FAE]  }
0x2e: {  	s3 =	simm.s32 @!p0 $0x1082;
	s9 =	sld [smem:$0x3FAF]  }
0x2f: {  	lr =	sadd.s32 s0, s3;
	s0 =	sld [smem:$0x3FA6]  }
0x30: {  	s3 =	sld [smem:$0x3FA9]  }
0x31: {  	[smem:$0x3FB2] =	sst s10  }
0x32: {  	s10 =	sld [smem:$0x3FB0];
	_ =	sdelay $0x3  }
0x33: {  	p0 =	seq.s32 s10, $0x1;
	s10 =	sld [smem:$0x3FB2];
	_ =	sdelay $0x3  }
0x34: {  	[smem:$0x3FB2] =	sst s10  }
0x35: {  	s10 =	sld [smem:$0x3FB1];
	_ =	sdelay $0x3  }
0x36: {  	p1 =	seq.s32 s10, $0x1;
	s10 =	sld [smem:$0x3FB2];
	_ =	sdelay $0x3  }
0x37: {  	[smem:$0x3FB2] =	sst s10  }
0x38: {  	s10 =	sld [smem:$0x3FB3]  }
0x39: {  	_ = 	snop;
	(pc) =	sbr.ind lr, $3  }
0x3a: {  	_ = 	snop  }
0x3b: {  	_ = 	snop  }
0x3c: {  	p2 =	seq.s32 s10, $0x1;
	s10 =	sld [smem:$0x3FB2]  }
0x3d: {  	_ =	shalt  }
0x3e: {  	_ =	shalt  }
0x3f: {  	_ =	shalt  }
0x40: {  	_ =	shalt  }
0x41: {  	_ =	shalt  }
0x42: {  	_ =	shalt  }
0x43: {  	_ =	shalt  }
0x44: {  	_ =	shalt  }
0x45: {  	_ =	shalt  }
0x46: {  	_ =	shalt  }
0x47: {  	_ =	shalt  }
0x48: {  	_ =	shalt  }
0x49: {  	_ =	shalt  }
0x4a: {  	_ =	shalt  }
0x4b: {  	_ =	shalt  }
0x4c: {  	_ =	shalt  }
0x4d: {  	_ =	shalt  }
0x4e: {  	_ =	shalt  }
0x4f: {  	_ =	shalt  }
0x50: {  	_ =	shalt  }
0x51: {  	_ =	shalt  }
0x52: {  	_ =	shalt  }
0x53: {  	_ =	shalt  }
0x54: {  	_ =	shalt  }
0x55: {  	_ =	shalt  }
0x56: {  	_ =	shalt  }
0x57: {  	_ =	shalt  }
0x58: {  	_ =	shalt  }
0x59: {  	_ =	shalt  }
0x5a: {  	_ =	shalt  }
0x5b: {  	_ =	shalt  }
0x5c: {  	_ =	shalt  }
0x5d: {  	_ =	shalt  }
0x5e: {  	_ =	shalt  }
0x5f: {  	_ =	shalt  }
0x60: {  	_ =	shalt  }
0x61: {  	_ =	shalt  }
0x62: {  	_ =	shalt  }
0x63: {  	_ =	shalt  }
0x64: {  	_ =	shalt  }
0x65: {  	_ =	shalt  }
0x66: {  	_ =	shalt  }
0x67: {  	_ =	shalt  }
0x68: {  	_ =	shalt  }
0x69: {  	_ =	shalt  }
0x6a: {  	_ =	shalt  }
0x6b: {  	_ =	shalt  }
0x6c: {  	_ =	shalt  }
0x6d: {  	_ =	shalt  }
0x6e: {  	_ =	shalt  }
0x6f: {  	_ =	shalt  }
0x70: {  	_ =	shalt  }
0x71: {  	_ =	shalt  }
0x72: {  	_ =	shalt  }
0x73: {  	_ =	shalt  }
0x74: {  	_ =	shalt  }
0x75: {  	_ =	shalt  }
0x76: {  	_ =	shalt  }
0x77: {  	_ =	shalt  }
0x78: {  	_ =	shalt  }
0x79: {  	_ =	shalt  }
0x7a: {  	_ =	shalt  }
0x7b: {  	_ =	shalt  }
0x7c: {  	_ =	shalt  }
0x7d: {  	_ =	shalt  }
0x7e: {  	_ =	shalt  }
0x7f: {  	_ =	shalt  }
0x80: {  	_ =	shalt  }
0x81: {  	_ =	shalt  }
0x82: {  	_ =	shalt  }
0x83: {  	_ =	shalt  }
0x84: {  	_ =	shalt  }
0x85: {  	_ =	shalt  }
0x86: {  	_ =	shalt  }
0x87: {  	_ =	shalt  }
.Lfunc_end0:
.L_simem_size_0:
called_computation.1_lowered:
.L_overlay_start_0:
0x88: {  	s2 =	sld [smem:$0x3FD9]  }
0x89: {  	s3 =	sld [smem:$0x3FFE];
	_ =	sdelay $0x1  }
0x8a: {  	s1 =	srdreg.scid  }
0x8b: {  	s0 =	sand.u32 $0x1, s1  }
0x8c: {  	s16 =	sshll.u32 s0, $0xA;
	s2 =	sadd.s32 s3, s2  }
0x8d: {  	s2 =	sadd.s32 s2, s16  }
0x8e: {  	[smem:$0x3FBE] =	sst s2  }
0x8f: {  	_ = 	snop  }
0x90: {  	(tm) =	ssettm $0x1  }
0x91: {  	s17 =	sld [smem:$0x3FFB];
	_ =	sdelay $0x3  }
0x92: {  	_ =	strace s17  }
0x93: {  	s2 =	sld [smem:$0x3FFC];
	_ =	sdelay $0x3  }
0x94: {  	_ =	strace s2  }
0x95: {  	s2 =	sld [smem:$0x3FFD];
	_ =	sdelay $0x3  }
0x96: {  	_ =	strace s2  }
0x97: {  	_ =	strace $0x8FFFFFFF  }
0x98: {  	s18 =	sld [smem:$0x3FDB];
	_ =	sdelay $0x1  }
0x99: {  	s19 =	simm.s32 $_scs_section_size  }
0x9a: {  	s4 =	simm.s32 $_size__tile_overlayer_lowered;
	s5 =	simm.s32 $_tile_overlayer_lowered  }
0x9b: {  	s22 =	simm.s32 $0x1BFF;
	s21 =	sshll.u32 s5, $0x1;
	s2 =	sadd.s32 s19, s18  }
0x9c: {  	s6 =	simm.s32 $0x0;
	s20 =	sshll.u32 s4, $0x1;
	s4 =	sadd.s32 s21, s2  }
0x9d: {  	[timem:s6], [sflag:s22] =	dma.local [hbm:s4], s20  }
0x9e: {  	_ =	swait.ge [sflag:s22], s20  }
0x9f: {  	s3 =	ssub.s32 $0x0, s20;
	[sflag:s22] =	ssyncset.done $0x0  }
0xa0: {  	[sflag:s22] =	ssyncadd.s32 s3;
	_ =	sdelay $0x1  }
0xa1: {  	s23 =	simm.s32 $0x1B8B  }
0xa2: {  	_ =	swait.ge [sflag:s23], $0x1  }
0xa3: {  	[sflag:s23] =	ssyncset.done $0x0  }
0xa4: {  	s25 =	simm.s32 $0x1B8E;
	s24 =	sld [smem:$0x3FFE];
	[sflag:s23] =	ssyncadd.s32 $0xFFFFFFFF  }
0xa5: {  	s26 =	simm.s32 $execute0_lowered;
	[smem:$0x3FD2] =	sst s25  }
0xa6: {  	s4 =	sshll.u32 s26, $0x1;
	_ =	strace $0x80000049;
	[dreg:$0x1] =	wrdreg $0xFFFFFFFF  }
0xa7: {  	s28 =	simm.s32 $_size_execute0_lowered;
	s2 =	sadd.s32 s2, s4;
	[dreg:$0x0] =	wrdreg $0x0  }
0xa8: {  	s4 =	sshll.u32 s28, $0x1;
	[dreg:$0x2] =	wrdreg s2  }
0xa9: {  	[dreg:$0x3] =	wrdreg s4  }
0xaa: {  	[dreg:$0x4] =	wrdreg $0xC0  }
0xab: {  	_ =	task [dreg:s6], $0x5FFFF  }
0xac: {  	[dreg:$0x1] =	wrdreg $0xFFFFFFFF  }
0xad: {  	[dreg:$0x0] =	wrdreg $0x60  }
0xae: {  	[dreg:$0x2] =	wrdreg s24  }
0xaf: {  	[dreg:$0x3] =	wrdreg $0xB8000  }
0xb0: {  	[dreg:$0x4] =	wrdreg $0x9  }
0xb1: {  	_ =	task.clear_ibuf [dreg:s6], $0x5FFFF;
	_ =	strace $0x90000049  }
0xb2: {  	s29 =	simm.s32 $0x9;
	_ =	strace $0x8000004B  }
0xb3: {  	_ =	swait.ge [sflag:s29], $0x1  }
0xb4: {  	[sflag:s29] =	ssyncadd.s32 $0xFFFFFFFF  }
0xb5: {  	_ =	strace $0x9000004B  }
0xb6: {  	_ =	sfence  }
0xb7: {  	s30 =	sld [smem:$0x0];
	_ =	sdelay $0x2  }
0xb8: {  	s31 =	sshll.u32 s1, $0xD;
	s1 =	sshrl.u32 s1, $0x2  }
0xb9: {  	s3 =	sand.u32 $0x4000, s31;
	s1 =	sadd.s32 s1, s30  }
0xba: {  	s0 =	sor.u32 s3, s0;
	s1 =	sshll.u32 s1, $0x11  }
0xbb: {  	s0 =	sor.u32 s1, s0  }
0xbc: {  	s0 =	sadd.s32 $0x8F2B, s0  }
0xbd: {  	[sflag:s0] =	ssyncadd.remote.s32 $0x1  }
0xbe: {  	_ =	sfence.sel $0xFFFF  }
0xbf: {  	[dreg:$0x0] =	wrdreg $0xFFFFFFFF;
	(pc) =	sbr.abs _section_cstart, $3  }
0xc0: {  	[dreg:$0x1] =	wrdreg $0xFFFFFFFF  }
0xc1: {  	_ =	task.clear_ibuf [dreg:s6], $0x2FFFF;
	_ =	strace $0x9FFFFFFF  }
0xc2: {  	(tm) =	ssettm $0x7FFFFFFF  }
0xc3: {  	_ =	shalt  }
tec
execute0_lowered:
.L_overlay_start_1:
0x0: {  	(tag) =	ssettag $0x1  }
0x1: {  	s5 =	rddreg [dreg:$0x0]  }
0x2: {  	s0 =	srdreg.scid;
	s2 =	rddreg [dreg:$0x1]  }
0x3: {  	s1 =	rddreg [dreg:$0x2];
	s3 =	simm.s32 $0x0;
	s16 =	simm.s32 $0x40  }
0x4: {  	s17 =	simm.s32 $0x7800;
	s18 =	simm.s32 $0x9800;
	s6 =	sand.u32 $0x1, s0  }
0x5: {  	s19 =	simm.s32 $0x1;
	s0 =	stileid.u32;
	s4 =	smul.u32 $0x28000, s6  }
0x6: {  	s20 =	simm.s32 $0x2;
	s21 =	simm.s32 $0x80;
	s7 =	smul.u32 $0x500, s0  }
0x7: {  	s22 =	simm.s32 $0x3;
	[smem:$0x7FF] =	sst s3;
	s8 =	smul.u32 $0x140000, s6  }
0x8: {  	s23 =	simm.s32 $0x0;
	s9 =	smul.u32 $0x14000, s0;
	_ =	strace $0x8000004A  }
0x9: {  	s6 =	ssub.s32 $0x2, s6;
	s11 =	smul.u32 $0x50000, s0;
	s14 =	sshll.u32 s0, $0x6  }
0xa: {  	s30 =	sshrl.u32 s6, $0x1;
	s14 =	sor.u32 $0x1C04, s14;
	s10 =	sadd.s32 s4, s5  }
0xb: {  	s7 =	sadd.s32 s7, s5;
	s4 =	sadd.s32 $0x7800, s5;
	s8 =	sadd.s32 s9, s8  }
0xc: {  	s13 =	ssub.s32 s6, s30;
	s31 =	sshrl.u32 s11, $0x2;
	s11 =	simm.s32 $0x4  }
0xd: {  	s8 =	sshrl.u32 s8, $0x3;
	s6 =	sadd.s32 $0x5A800, s7;
	s15 =	sadd.s32 s31, s2  }
0xe: {  	s12 =	sadd.s32 s8, s5;
	s5 =	sadd.s32 $0x5F800, s7;
	s7 =	sadd.s32 $0x2800, s7  }
0xf: {  	s8 =	sadd.s32 $0x64800, s10;
	s10 =	smax.u32 s13, $0x1;
	s13 =	simm.s32 $0x5000  }
0x10: {  	s15 =	sshrl.u32 s15, $0x3;
	s9 =	sadd.s32 $0xB4800, s12;
	s12 =	simm.s32 $0x2800  }
.LBB2_1:
0x11: {  	[tilespmem:s3], [sflag:$0x4] =	stream.linear.gather [hbm4b:s5+s3], $0x2780, $0x38;
	[tilespmem:$0x1F800] =	vst v63  }
0x12: {  	_ =	swait.ge [sflag:s11], $0x2780  }
0x13: {  	[sflag:s11] =	ssyncset.done $0x0  }
0x14: {  	[sflag:s11] =	ssyncadd.s32 $0xFFFFD880  }
0x15: {  	[tilespmem:s12], [sflag:$0x4] =	stream.linear.gather [hbm4b:s6+s3], $0x2780, $0x38;
	[tilespmem:$0x1F800] =	vst v63  }
0x16: {  	_ =	swait.ge [sflag:s11], $0x2780  }
0x17: {  	[sflag:s11] =	ssyncset.done $0x0  }
0x18: {  	[sflag:s11] =	ssyncadd.s32 $0xFFFFD880  }
0x19: {  	[tilespmem:s13], [sflag:$0x4] =	stream.linear.gather [hbm4b:s7+s3], $0x2780, $0x38;
	[tilespmem:$0x1F800] =	vst v63  }
0x1a: {  	_ =	swait.ge [sflag:s11], $0x2780  }
0x1b: {  	[sflag:s11] =	ssyncset.done $0x0  }
0x1c: {  	[sflag:s11] =	ssyncadd.s32 $0xFFFFD880  }
0x1d: {  	[spmem:s15], [sflag:s14] =	dma.local [hbm:s4], $0x2800  }
0x1e: {  	_ =	swait.ge [sflag:s11], $0x2800  }
0x1f: {  	[sflag:s11] =	ssyncset.done $0x0  }
0x20: {  	[sflag:s11] =	ssyncadd.s32 $0xFFFFD800  }
0x21: {  	s24 =	simm.s32 $0x0;
	[bflag:$0x0] =	sbarrier.arrive $0xFFFF  }
0x22: {  	[tilespmem:s17], [sflag:$0x1] =	stream.indirect.gather [hbm4b:s8+s16], $0x80, s24, s16, $0xb8;
	[tilespmem:$0x1F800] =	vst v63  }
0x23: {  	s30 =	simm.s32 $0x2800  }
0x24: {  	[tilespmem:s18], [sflag:$0x2] =	stream.indirect.gather [hbm4b:s8+s16], $0x80, s30, s16, $0xb8;
	[tilespmem:$0x1F800] =	vst v63  }
0x25: {  	_ =	swait.ge [sflag:s19], $0x2000  }
0x26: {  	[sflag:s19] =	ssyncset.done $0x0  }
0x27: {  	[sflag:s19] =	ssyncadd.s32 $0xFFFFE000  }
0x28: {  	_ =	swait.ge [sflag:s20], $0x2000  }
0x29: {  	[sflag:s20] =	ssyncset.done $0x0  }
0x2a: {  	s31 =	simm.s32 $0x5000;
	[sflag:s20] =	ssyncadd.s32 $0xFFFFE000  }
0x2b: {  	[spmem:s2] =	stream.indirect.scatter.add.f32 [tilespmem:s17], [sflag:$0x3], $0x80, s31, s21, $0xb8;
	[tilespmem:$0x1F800] =	vst v63  }
0x2c: {  	_ =	swait.ge [sflag:s22], $0x4000  }
0x2d: {  	s25 =	simm.s32 $0x400;
	s24 =	simm.s32 $0x200;
	[sflag:s22] =	ssyncset.done $0x0  }
.LBB2_2:
0x2e: {  	s26 =	sshra.s32 s24, $0x2  }
0x2f: {  	[sflag:s22] =	ssyncadd.s32 $0xFFFFC000;
	s24 =	smov.u32 s25;
	s28 =	sadd.s32 $0x200, s25  }
0x30: {  	[tilespmem:s17], [sflag:$0x1] =	stream.indirect.gather [hbm4b:s8+s16], $0x80, s26, s16, $0xb8;
	[tilespmem:$0x1F800] =	vst v63  }
0x31: {  	p0 =	sne.s32 s25, $0x9C00;
	s25 =	sadd.s32 $0x2800, s26  }
0x32: {  	[tilespmem:s18], [sflag:$0x2] =	stream.indirect.gather [hbm4b:s8+s16], $0x80, s25, s16, $0xb8;
	[tilespmem:$0x1F800] =	vst v63  }
0x33: {  	_ =	swait.ge [sflag:s19], $0x2000  }
0x34: {  	[sflag:s19] =	ssyncset.done $0x0  }
0x35: {  	[sflag:s19] =	ssyncadd.s32 $0xFFFFE000  }
0x36: {  	_ =	swait.ge [sflag:s20], $0x2000  }
.Ltmp0:
0x37: {  	[sflag:s20] =	ssyncset.done $0x0;
	(pc) =	sbr.rel @p0 .LBB2_2-.Ltmp0, $4  }
0x38: {  	s25 =	sadd.s32 $0x5000, s26;
	[sflag:s20] =	ssyncadd.s32 $0xFFFFE000  }
0x39: {  	[spmem:s2] =	stream.indirect.scatter.add.f32 [tilespmem:s17], [sflag:$0x3], $0x80, s25, s21, $0xb8;
	[tilespmem:$0x1F800] =	vst v63  }
0x3a: {  	_ =	swait.ge [sflag:s22], $0x4000  }
0x3b: {  	s25 =	smov.u32 s28;
	[sflag:s22] =	ssyncset.done $0x0  }
0x3c: {  	s24 =	sshra.s32 s24, $0x2;
	[sflag:s22] =	ssyncadd.s32 $0xFFFFC000  }
0x3d: {  	[tilespmem:s17], [sflag:$0x1] =	stream.indirect.gather [hbm4b:s8+s16], $0x80, s24, s16, $0xb8;
	[tilespmem:$0x1F800] =	vst v63  }
0x3e: {  	s25 =	sadd.s32 $0x2800, s24  }
0x3f: {  	[tilespmem:s18], [sflag:$0x2] =	stream.indirect.gather [hbm4b:s8+s16], $0x80, s25, s16, $0xb8;
	[tilespmem:$0x1F800] =	vst v63  }
0x40: {  	_ =	swait.ge [sflag:s19], $0x2000  }
0x41: {  	[sflag:s19] =	ssyncset.done $0x0  }
0x42: {  	[sflag:s19] =	ssyncadd.s32 $0xFFFFE000  }
0x43: {  	_ =	swait.ge [sflag:s20], $0x2000  }
0x44: {  	[sflag:s20] =	ssyncset.done $0x0  }
0x45: {  	s24 =	sadd.s32 $0x5000, s24;
	[sflag:s20] =	ssyncadd.s32 $0xFFFFE000  }
0x46: {  	[spmem:s2] =	stream.indirect.scatter.add.f32 [tilespmem:s17], [sflag:$0x3], $0x80, s24, s21, $0xb8;
	[tilespmem:$0x1F800] =	vst v63  }
0x47: {  	_ =	swait.ge [sflag:s22], $0x4000  }
0x48: {  	s23 =	sadd.s32 $0x1, s23;
	[sflag:s22] =	ssyncset.done $0x0  }
0x49: {  	p0 =	sne.s32 s23, s10;
	[sflag:s22] =	ssyncadd.s32 $0xFFFFC000  }
.Ltmp1:
0x4a: {  	[bflag:$0x0] =	sbarrier.arrive $0xFFFF;
	(pc) =	sbr.rel @p0 .LBB2_1-.Ltmp1, $4  }
0x4b: {  	[hbm:s9], [sflag:s14] =	dma.local [spmem:s15], $0x2800  }
0x4c: {  	_ =	swait.ge [sflag:s11], $0x2800  }
0x4d: {  	[sflag:s11] =	ssyncset.done $0x0  }
0x4e: {  	[sflag:s11] =	ssyncadd.s32 $0xFFFFD800  }
0x4f: {  	_ =	sfence.sel $0x180000  }
0x50: {  	[bflag:$0x0] =	sbarrier.arrive $0xFFFF  }
0x51: {  	p0 =	sne.s32 s0, $0x0;
	_ =	strace $0x9000004A  }
0x52: {  	s0 =	sadd.s32 @!p0 $0x100000, s1;
	[bflag:$0x2] =	sbarrier.arrive $0xFFFF  }
0x53: {  	[sflag:s0] =	ssyncadd.tile.s32 @!p0 $0x1;
	_ =	shalt  }
.Lfunc_end2:
_tile_overlayer_lowered:
.L_overlay_start_2:
0x54: {  	(tag) =	ssettag $0x2  }
0x55: {  	s0 =	rddreg [dreg:$0x0];
	s2 =	stileid.u32  }
0x56: {  	s1 =	rddreg [dreg:$0x1];
	p0 =	sne.s32 s2, $0x0  }
0x57: {  	s3 =	rddreg [dreg:$0x2];
	[bflag:$0x3] =	sbarrier.arrive $0xFFFF;
	s2 =	simm.s32 @!p0 $0x1C04  }
0x58: {  	[timem:s3], [sflag:s2] =	dma.local @!p0 [hbm:s0], s1  }
0x59: {  	s0 =	simm.s32 @!p0 $0x4  }
0x5a: {  	_ =	swait.ge @!p0 [sflag:s0], s1  }
0x5b: {  	s1 =	ssub.s32 @!p0 $0x0, s1;
	[sflag:s0] =	ssyncset.done @!p0 $0x0  }
0x5c: {  	[sflag:s0] =	ssyncadd.s32 @!p0 s1  }
0x5d: {  	[bflag:$0x3] =	sbarrier.arrive $0xFFFF  }
0x5e: {  	_ =	shalt  }

// kernel: kernel.14.cloned.1.call-start
scs
__scs_entry_jumppad:
0x0: {  	(pc) =	sbr.rel $0x88, $3  }
0x1: {  	(tag) =	ssettag $0x0;
	lr =	simm.s32 $0x1  }
0x2: {  	[smem:$0x3F97] =	sst lr;
	_ =	strace $0xD0000000  }
0x3: {  	_ = 	snop  }
0x4: {  	_ = 	snop  }
0x5: {  	_ = 	snop  }
0x6: {  	_ = 	snop  }
0x7: {  	_ = 	snop  }
__scs_overlays_trampoline_lowered:
0x8: {  	[smem:$0x3FA6] =	sst s0  }
0x9: {  	[smem:$0x3FA7] =	sst s1  }
0xa: {  	[smem:$0x3FA8] =	sst s2  }
0xb: {  	[smem:$0x3FA9] =	sst s3  }
0xc: {  	[smem:$0x3FAA] =	sst s4  }
0xd: {  	[smem:$0x3FAB] =	sst s5  }
0xe: {  	[smem:$0x3FAC] =	sst s6  }
0xf: {  	[smem:$0x3FAD] =	sst s7  }
0x10: {  	[smem:$0x3FAE] =	sst s8  }
0x11: {  	[smem:$0x3FAF] =	sst s9;
	s0 =	simm.s32 @!p0 $0x0  }
0x12: {  	s1 =	sld [smem:$0x3F95];
	s0 =	simm.s32 @p0 $0x1  }
0x13: {  	[smem:$0x3FB0] =	sst s0;
	s0 =	simm.s32 @!p1 $0x0  }
0x14: {  	s2 =	sld [smem:$0x3F94];
	s0 =	simm.s32 @p1 $0x1  }
0x15: {  	[smem:$0x3FB1] =	sst s0;
	s0 =	simm.s32 @!p2 $0x0  }
0x16: {  	s3 =	sld [smem:$0x3FDB];
	s0 =	simm.s32 @p2 $0x1  }
0x17: {  	s4 =	simm.s32 $0x1BF5;
	[smem:$0x3FB3] =	sst s0  }
0x18: {  	s0 =	sld [smem:$0x3F96];
	_ =	swait.ge [sflag:s4], $0x0  }
0x19: {  	s7 =	sld [smem:$0x3F97]  }
0x1a: {  	s8 =	sadd.s32 $0xFFFFE003, lr  }
0x1b: {  	s9 =	sadd.s32 $0xFFFFFEF7, lr;
	s5 =	simm.s32 $0xFFFFFFFF;
	p2 =	slt.u32 s8, $0xFFFFF086  }
0x1c: {  	p1 =	slt.u32 s9, $0xF7A;
	s5 =	simm.s32 @!p2 $0x0  }
0x1d: {  	s5 =	simm.s32 @p1 $0x1;
	p0 =	seq.s32 s7, s2  }
0x1e: {  	s7 =	smul.u32 @!p0 $0xF7A, s2;
	p2 =	seq.s32 @!p0 s5, $0x0  }
0x1f: {  	s9 =	smul.u32 $0xF7A, s1;
	s8 =	simm.s32 @!p0 $0x1BF5;
	p2 =	por !p2, p0  }
0x20: {  	[sflag:s8] =	ssyncset.s32 @!p0 $0xFFFFF086;
	s6 =	sadd.s32 @!p0 s3, s7;
	s7 =	simm.s32 @!p0 $0x108  }
0x21: {  	s3 =	sadd.s32 s3, s9;
	s6 =	sadd.s32 @!p0 $0x88, s6;
	s7 =	simm.s32 @p2 $0x1082  }
0x22: {  	[simem:s7], [sflag:s8] =	dma.local @!p0 [hbm:s6], $0xF7A  }
0x23: {  	s9 =	sor.u32 $0xD0000000, s2;
	s6 =	simm.s32 $0x108;
	_ =	swait.ge @!p0 [sflag:s8], $0x0  }
0x24: {  	s3 =	sadd.s32 $0x88, s3;
	s6 =	simm.s32 @!p1 $0x1082;
	[sflag:s4] =	ssyncset.s32 $0xFFFFF086  }
0x25: {  	[simem:s6], [sflag:s4] =	dma.local [hbm:s3], $0xF7A  }
0x26: {  	[smem:$0x3F97] =	sst s1;
	(tag) =	ssettag s2;
	_ =	strace s9  }
0x27: {  	s1 =	sld [smem:$0x3FA7]  }
0x28: {  	s2 =	sld [smem:$0x3FA8]  }
0x29: {  	s4 =	sld [smem:$0x3FAA]  }
0x2a: {  	p0 =	seq.s32 s5, $0x0;
	s5 =	sld [smem:$0x3FAB]  }
0x2b: {  	s6 =	sld [smem:$0x3FAC]  }
0x2c: {  	s7 =	sld [smem:$0x3FAD]  }
0x2d: {  	s3 =	simm.s32 $0x108;
	s8 =	sld [smem:$0x3FAE]  }
0x2e: {  	s3 =	simm.s32 @!p0 $0x1082;
	s9 =	sld [smem:$0x3FAF]  }
0x2f: {  	lr =	sadd.s32 s0, s3;
	s0 =	sld [smem:$0x3FA6]  }
0x30: {  	s3 =	sld [smem:$0x3FA9]  }
0x31: {  	[smem:$0x3FB2] =	sst s10  }
0x32: {  	s10 =	sld [smem:$0x3FB0];
	_ =	sdelay $0x3  }
0x33: {  	p0 =	seq.s32 s10, $0x1;
	s10 =	sld [smem:$0x3FB2];
	_ =	sdelay $0x3  }
0x34: {  	[smem:$0x3FB2] =	sst s10  }
0x35: {  	s10 =	sld [smem:$0x3FB1];
	_ =	sdelay $0x3  }
0x36: {  	p1 =	seq.s32 s10, $0x1;
	s10 =	sld [smem:$0x3FB2];
	_ =	sdelay $0x3  }
0x37: {  	[smem:$0x3FB2] =	sst s10  }
0x38: {  	s10 =	sld [smem:$0x3FB3]  }
0x39: {  	_ = 	snop;
	(pc) =	sbr.ind lr, $3  }
0x3a: {  	_ = 	snop  }
0x3b: {  	_ = 	snop  }
0x3c: {  	p2 =	seq.s32 s10, $0x1;
	s10 =	sld [smem:$0x3FB2]  }
0x3d: {  	_ =	shalt  }
0x3e: {  	_ =	shalt  }
0x3f: {  	_ =	shalt  }
0x40: {  	_ =	shalt  }
0x41: {  	_ =	shalt  }
0x42: {  	_ =	shalt  }
0x43: {  	_ =	shalt  }
0x44: {  	_ =	shalt  }
0x45: {  	_ =	shalt  }
0x46: {  	_ =	shalt  }
0x47: {  	_ =	shalt  }
0x48: {  	_ =	shalt  }
0x49: {  	_ =	shalt  }
0x4a: {  	_ =	shalt  }
0x4b: {  	_ =	shalt  }
0x4c: {  	_ =	shalt  }
0x4d: {  	_ =	shalt  }
0x4e: {  	_ =	shalt  }
0x4f: {  	_ =	shalt  }
0x50: {  	_ =	shalt  }
0x51: {  	_ =	shalt  }
0x52: {  	_ =	shalt  }
0x53: {  	_ =	shalt  }
0x54: {  	_ =	shalt  }
0x55: {  	_ =	shalt  }
0x56: {  	_ =	shalt  }
0x57: {  	_ =	shalt  }
0x58: {  	_ =	shalt  }
0x59: {  	_ =	shalt  }
0x5a: {  	_ =	shalt  }
0x5b: {  	_ =	shalt  }
0x5c: {  	_ =	shalt  }
0x5d: {  	_ =	shalt  }
0x5e: {  	_ =	shalt  }
0x5f: {  	_ =	shalt  }
0x60: {  	_ =	shalt  }
0x61: {  	_ =	shalt  }
0x62: {  	_ =	shalt  }
0x63: {  	_ =	shalt  }
0x64: {  	_ =	shalt  }
0x65: {  	_ =	shalt  }
0x66: {  	_ =	shalt  }
0x67: {  	_ =	shalt  }
0x68: {  	_ =	shalt  }
0x69: {  	_ =	shalt  }
0x6a: {  	_ =	shalt  }
0x6b: {  	_ =	shalt  }
0x6c: {  	_ =	shalt  }
0x6d: {  	_ =	shalt  }
0x6e: {  	_ =	shalt  }
0x6f: {  	_ =	shalt  }
0x70: {  	_ =	shalt  }
0x71: {  	_ =	shalt  }
0x72: {  	_ =	shalt  }
0x73: {  	_ =	shalt  }
0x74: {  	_ =	shalt  }
0x75: {  	_ =	shalt  }
0x76: {  	_ =	shalt  }
0x77: {  	_ =	shalt  }
0x78: {  	_ =	shalt  }
0x79: {  	_ =	shalt  }
0x7a: {  	_ =	shalt  }
0x7b: {  	_ =	shalt  }
0x7c: {  	_ =	shalt  }
0x7d: {  	_ =	shalt  }
0x7e: {  	_ =	shalt  }
0x7f: {  	_ =	shalt  }
0x80: {  	_ =	shalt  }
0x81: {  	_ =	shalt  }
0x82: {  	_ =	shalt  }
0x83: {  	_ =	shalt  }
0x84: {  	_ =	shalt  }
0x85: {  	_ =	shalt  }
0x86: {  	_ =	shalt  }
0x87: {  	_ =	shalt  }
.Lfunc_end0:
.L_simem_size_0:
called_computation.2_lowered:
.L_overlay_start_0:
0x88: {  	s2 =	sld [smem:$0x3FD9]  }
0x89: {  	s3 =	sld [smem:$0x3FFE];
	_ =	sdelay $0x1  }
0x8a: {  	s1 =	srdreg.scid  }
0x8b: {  	s0 =	sand.u32 $0x1, s1  }
0x8c: {  	s16 =	sshll.u32 s0, $0xA;
	s2 =	sadd.s32 s3, s2  }
0x8d: {  	s2 =	sadd.s32 s2, s16  }
0x8e: {  	[smem:$0x3FBE] =	sst s2  }
0x8f: {  	_ = 	snop  }
0x90: {  	(tm) =	ssettm $0x1  }
0x91: {  	s17 =	sld [smem:$0x3FFB];
	_ =	sdelay $0x3  }
0x92: {  	_ =	strace s17  }
0x93: {  	s2 =	sld [smem:$0x3FFC];
	_ =	sdelay $0x3  }
0x94: {  	_ =	strace s2  }
0x95: {  	s2 =	sld [smem:$0x3FFD];
	_ =	sdelay $0x3  }
0x96: {  	_ =	strace s2  }
0x97: {  	_ =	strace $0x8FFFFFFF  }
0x98: {  	s18 =	sld [smem:$0x3FDB];
	_ =	sdelay $0x1  }
0x99: {  	s19 =	simm.s32 $_scs_section_size  }
0x9a: {  	s4 =	simm.s32 $_size__tile_overlayer_lowered;
	s5 =	simm.s32 $_tile_overlayer_lowered  }
0x9b: {  	s22 =	simm.s32 $0x1BFF;
	s21 =	sshll.u32 s5, $0x1;
	s2 =	sadd.s32 s19, s18  }
0x9c: {  	s6 =	simm.s32 $0x0;
	s20 =	sshll.u32 s4, $0x1;
	s4 =	sadd.s32 s21, s2  }
0x9d: {  	[timem:s6], [sflag:s22] =	dma.local [hbm:s4], s20  }
0x9e: {  	_ =	swait.ge [sflag:s22], s20  }
0x9f: {  	s3 =	ssub.s32 $0x0, s20;
	[sflag:s22] =	ssyncset.done $0x0  }
0xa0: {  	[sflag:s22] =	ssyncadd.s32 s3;
	_ =	sdelay $0x1  }
0xa1: {  	s23 =	simm.s32 $0x1B8B  }
0xa2: {  	_ =	swait.ge [sflag:s23], $0x1  }
0xa3: {  	[sflag:s23] =	ssyncset.done $0x0  }
0xa4: {  	s25 =	simm.s32 $0x1B8E;
	s24 =	sld [smem:$0x3FFE];
	[sflag:s23] =	ssyncadd.s32 $0xFFFFFFFF  }
0xa5: {  	s26 =	simm.s32 $execute0_lowered;
	[smem:$0x3FD2] =	sst s25  }
0xa6: {  	s4 =	sshll.u32 s26, $0x1;
	_ =	strace $0x8000004C;
	[dreg:$0x1] =	wrdreg $0xFFFFFFFF  }
0xa7: {  	s28 =	simm.s32 $_size_execute0_lowered;
	s2 =	sadd.s32 s2, s4;
	[dreg:$0x0] =	wrdreg $0x0  }
0xa8: {  	s4 =	sshll.u32 s28, $0x1;
	[dreg:$0x2] =	wrdreg s2  }
0xa9: {  	[dreg:$0x3] =	wrdreg s4  }
0xaa: {  	[dreg:$0x4] =	wrdreg $0xC0  }
0xab: {  	_ =	task [dreg:s6], $0x5FFFF  }
0xac: {  	[dreg:$0x1] =	wrdreg $0xFFFFFFFF  }
0xad: {  	[dreg:$0x0] =	wrdreg $0x60  }
0xae: {  	[dreg:$0x2] =	wrdreg s24  }
0xaf: {  	[dreg:$0x3] =	wrdreg $0xB8000  }
0xb0: {  	[dreg:$0x4] =	wrdreg $0x9  }
0xb1: {  	_ =	task.clear_ibuf [dreg:s6], $0x5FFFF;
	_ =	strace $0x9000004C  }
0xb2: {  	s29 =	simm.s32 $0x9;
	_ =	strace $0x8000004E  }
0xb3: {  	_ =	swait.ge [sflag:s29], $0x1  }
0xb4: {  	[sflag:s29] =	ssyncadd.s32 $0xFFFFFFFF  }
0xb5: {  	_ =	strace $0x9000004E  }
0xb6: {  	_ =	sfence  }
0xb7: {  	s30 =	sld [smem:$0x0];
	_ =	sdelay $0x2  }
0xb8: {  	s31 =	sshll.u32 s1, $0xD;
	s1 =	sshrl.u32 s1, $0x2  }
0xb9: {  	s3 =	sand.u32 $0x4000, s31;
	s1 =	sadd.s32 s1, s30  }
0xba: {  	s0 =	sor.u32 s3, s0;
	s1 =	sshll.u32 s1, $0x11  }
0xbb: {  	s0 =	sor.u32 s1, s0  }
0xbc: {  	s0 =	sadd.s32 $0x8F2B, s0  }
0xbd: {  	[sflag:s0] =	ssyncadd.remote.s32 $0x1  }
0xbe: {  	_ =	sfence.sel $0xFFFF  }
0xbf: {  	[dreg:$0x0] =	wrdreg $0xFFFFFFFF;
	(pc) =	sbr.abs _section_cstart, $3  }
0xc0: {  	[dreg:$0x1] =	wrdreg $0xFFFFFFFF  }
0xc1: {  	_ =	task.clear_ibuf [dreg:s6], $0x2FFFF;
	_ =	strace $0x9FFFFFFF  }
0xc2: {  	(tm) =	ssettm $0x7FFFFFFF  }
0xc3: {  	_ =	shalt  }
tec
execute0_lowered:
.L_overlay_start_1:
0x0: {  	(tag) =	ssettag $0x1  }
0x1: {  	s5 =	rddreg [dreg:$0x0]  }
0x2: {  	s0 =	srdreg.scid;
	s2 =	rddreg [dreg:$0x1]  }
0x3: {  	s1 =	rddreg [dreg:$0x2];
	s3 =	simm.s32 $0x0;
	s16 =	simm.s32 $0x40  }
0x4: {  	s17 =	simm.s32 $0x7800;
	s18 =	simm.s32 $0x9800;
	s6 =	sand.u32 $0x1, s0  }
0x5: {  	s19 =	simm.s32 $0x1;
	s0 =	stileid.u32;
	s4 =	smul.u32 $0x28000, s6  }
0x6: {  	s20 =	simm.s32 $0x2;
	s21 =	simm.s32 $0x80;
	s7 =	smul.u32 $0x500, s0  }
0x7: {  	s22 =	simm.s32 $0x3;
	[smem:$0x7FF] =	sst s3;
	s8 =	smul.u32 $0x140000, s6  }
0x8: {  	s23 =	simm.s32 $0x0;
	s9 =	smul.u32 $0x14000, s0;
	_ =	strace $0x8000004D  }
0x9: {  	s6 =	ssub.s32 $0x2, s6;
	s11 =	smul.u32 $0x50000, s0;
	s14 =	sshll.u32 s0, $0x6  }
0xa: {  	s30 =	sshrl.u32 s6, $0x1;
	s14 =	sor.u32 $0x1C04, s14;
	s10 =	sadd.s32 s4, s5  }
0xb: {  	s7 =	sadd.s32 s7, s5;
	s4 =	sadd.s32 $0x7800, s5;
	s8 =	sadd.s32 s9, s8  }
0xc: {  	s13 =	ssub.s32 s6, s30;
	s31 =	sshrl.u32 s11, $0x2;
	s11 =	simm.s32 $0x4  }
0xd: {  	s8 =	sshrl.u32 s8, $0x3;
	s6 =	sadd.s32 $0x5A800, s7;
	s15 =	sadd.s32 s31, s2  }
0xe: {  	s12 =	sadd.s32 s8, s5;
	s5 =	sadd.s32 $0x5F800, s7;
	s7 =	sadd.s32 $0x2800, s7  }
0xf: {  	s8 =	sadd.s32 $0x64800, s10;
	s10 =	smax.u32 s13, $0x1;
	s13 =	simm.s32 $0x5000  }
0x10: {  	s15 =	sshrl.u32 s15, $0x3;
	s9 =	sadd.s32 $0xB4800, s12;
	s12 =	simm.s32 $0x2800  }
.LBB2_1:
0x11: {  	[tilespmem:s3], [sflag:$0x4] =	stream.linear.gather [hbm4b:s5+s3], $0x2780, $0x38;
	[tilespmem:$0x1F800] =	vst v63  }
0x12: {  	_ =	swait.ge [sflag:s11], $0x2780  }
0x13: {  	[sflag:s11] =	ssyncset.done $0x0  }
0x14: {  	[sflag:s11] =	ssyncadd.s32 $0xFFFFD880  }
0x15: {  	[tilespmem:s12], [sflag:$0x4] =	stream.linear.gather [hbm4b:s6+s3], $0x2780, $0x38;
	[tilespmem:$0x1F800] =	vst v63  }
0x16: {  	_ =	swait.ge [sflag:s11], $0x2780  }
0x17: {  	[sflag:s11] =	ssyncset.done $0x0  }
0x18: {  	[sflag:s11] =	ssyncadd.s32 $0xFFFFD880  }
0x19: {  	[tilespmem:s13], [sflag:$0x4] =	stream.linear.gather [hbm4b:s7+s3], $0x2780, $0x38;
	[tilespmem:$0x1F800] =	vst v63  }
0x1a: {  	_ =	swait.ge [sflag:s11], $0x2780  }
0x1b: {  	[sflag:s11] =	ssyncset.done $0x0  }
0x1c: {  	[sflag:s11] =	ssyncadd.s32 $0xFFFFD880  }
0x1d: {  	[spmem:s15], [sflag:s14] =	dma.local [hbm:s4], $0x2800  }
0x1e: {  	_ =	swait.ge [sflag:s11], $0x2800  }
0x1f: {  	[sflag:s11] =	ssyncset.done $0x0  }
0x20: {  	[sflag:s11] =	ssyncadd.s32 $0xFFFFD800  }
0x21: {  	s24 =	simm.s32 $0x0;
	[bflag:$0x0] =	sbarrier.arrive $0xFFFF  }
0x22: {  	[tilespmem:s17], [sflag:$0x1] =	stream.indirect.gather [hbm4b:s8+s16], $0x80, s24, s16, $0xb8;
	[tilespmem:$0x1F800] =	vst v63  }
0x23: {  	s30 =	simm.s32 $0x2800  }
0x24: {  	[tilespmem:s18], [sflag:$0x2] =	stream.indirect.gather [hbm4b:s8+s16], $0x80, s30, s16, $0xb8;
	[tilespmem:$0x1F800] =	vst v63  }
0x25: {  	_ =	swait.ge [sflag:s19], $0x2000  }
0x26: {  	[sflag:s19] =	ssyncset.done $0x0  }
0x27: {  	[sflag:s19] =	ssyncadd.s32 $0xFFFFE000  }
0x28: {  	_ =	swait.ge [sflag:s20], $0x2000  }
0x29: {  	[sflag:s20] =	ssyncset.done $0x0  }
0x2a: {  	s31 =	simm.s32 $0x5000;
	[sflag:s20] =	ssyncadd.s32 $0xFFFFE000  }
0x2b: {  	[spmem:s2] =	stream.indirect.scatter.add.f32 [tilespmem:s17], [sflag:$0x3], $0x80, s31, s21, $0xb8;
	[tilespmem:$0x1F800] =	vst v63  }
0x2c: {  	_ =	swait.ge [sflag:s22], $0x4000  }
0x2d: {  	s25 =	simm.s32 $0x400;
	s24 =	simm.s32 $0x200;
	[sflag:s22] =	ssyncset.done $0x0  }
.LBB2_2:
0x2e: {  	s26 =	sshra.s32 s24, $0x2  }
0x2f: {  	[sflag:s22] =	ssyncadd.s32 $0xFFFFC000;
	s24 =	smov.u32 s25;
	s28 =	sadd.s32 $0x200, s25  }
0x30: {  	[tilespmem:s17], [sflag:$0x1] =	stream.indirect.gather [hbm4b:s8+s16], $0x80, s26, s16, $0xb8;
	[tilespmem:$0x1F800] =	vst v63  }
0x31: {  	p0 =	sne.s32 s25, $0x9C00;
	s25 =	sadd.s32 $0x2800, s26  }
0x32: {  	[tilespmem:s18], [sflag:$0x2] =	stream.indirect.gather [hbm4b:s8+s16], $0x80, s25, s16, $0xb8;
	[tilespmem:$0x1F800] =	vst v63  }
0x33: {  	_ =	swait.ge [sflag:s19], $0x2000  }
0x34: {  	[sflag:s19] =	ssyncset.done $0x0  }
0x35: {  	[sflag:s19] =	ssyncadd.s32 $0xFFFFE000  }
0x36: {  	_ =	swait.ge [sflag:s20], $0x2000  }
.Ltmp0:
0x37: {  	[sflag:s20] =	ssyncset.done $0x0;
	(pc) =	sbr.rel @p0 .LBB2_2-.Ltmp0, $4  }
0x38: {  	s25 =	sadd.s32 $0x5000, s26;
	[sflag:s20] =	ssyncadd.s32 $0xFFFFE000  }
0x39: {  	[spmem:s2] =	stream.indirect.scatter.add.f32 [tilespmem:s17], [sflag:$0x3], $0x80, s25, s21, $0xb8;
	[tilespmem:$0x1F800] =	vst v63  }
0x3a: {  	_ =	swait.ge [sflag:s22], $0x4000  }
0x3b: {  	s25 =	smov.u32 s28;
	[sflag:s22] =	ssyncset.done $0x0  }
0x3c: {  	s24 =	sshra.s32 s24, $0x2;
	[sflag:s22] =	ssyncadd.s32 $0xFFFFC000  }
0x3d: {  	[tilespmem:s17], [sflag:$0x1] =	stream.indirect.gather [hbm4b:s8+s16], $0x80, s24, s16, $0xb8;
	[tilespmem:$0x1F800] =	vst v63  }
0x3e: {  	s25 =	sadd.s32 $0x2800, s24  }
0x3f: {  	[tilespmem:s18], [sflag:$0x2] =	stream.indirect.gather [hbm4b:s8+s16], $0x80, s25, s16, $0xb8;
	[tilespmem:$0x1F800] =	vst v63  }
0x40: {  	_ =	swait.ge [sflag:s19], $0x2000  }
0x41: {  	[sflag:s19] =	ssyncset.done $0x0  }
0x42: {  	[sflag:s19] =	ssyncadd.s32 $0xFFFFE000  }
0x43: {  	_ =	swait.ge [sflag:s20], $0x2000  }
0x44: {  	[sflag:s20] =	ssyncset.done $0x0  }
0x45: {  	s24 =	sadd.s32 $0x5000, s24;
	[sflag:s20] =	ssyncadd.s32 $0xFFFFE000  }
0x46: {  	[spmem:s2] =	stream.indirect.scatter.add.f32 [tilespmem:s17], [sflag:$0x3], $0x80, s24, s21, $0xb8;
	[tilespmem:$0x1F800] =	vst v63  }
0x47: {  	_ =	swait.ge [sflag:s22], $0x4000  }
0x48: {  	s23 =	sadd.s32 $0x1, s23;
	[sflag:s22] =	ssyncset.done $0x0  }
0x49: {  	p0 =	sne.s32 s23, s10;
	[sflag:s22] =	ssyncadd.s32 $0xFFFFC000  }
.Ltmp1:
0x4a: {  	[bflag:$0x0] =	sbarrier.arrive $0xFFFF;
	(pc) =	sbr.rel @p0 .LBB2_1-.Ltmp1, $4  }
0x4b: {  	[hbm:s9], [sflag:s14] =	dma.local [spmem:s15], $0x2800  }
0x4c: {  	_ =	swait.ge [sflag:s11], $0x2800  }
0x4d: {  	[sflag:s11] =	ssyncset.done $0x0  }
0x4e: {  	[sflag:s11] =	ssyncadd.s32 $0xFFFFD800  }
0x4f: {  	_ =	sfence.sel $0x180000  }
0x50: {  	[bflag:$0x0] =	sbarrier.arrive $0xFFFF  }
0x51: {  	p0 =	sne.s32 s0, $0x0;
	_ =	strace $0x9000004D  }
0x52: {  	s0 =	sadd.s32 @!p0 $0x100000, s1;
	[bflag:$0x2] =	sbarrier.arrive $0xFFFF  }
0x53: {  	[sflag:s0] =	ssyncadd.tile.s32 @!p0 $0x1;
	_ =	shalt  }
.Lfunc_end2:
_tile_overlayer_lowered:
.L_overlay_start_2:
0x54: {  	(tag) =	ssettag $0x2  }
0x55: {  	s0 =	rddreg [dreg:$0x0];
	s2 =	stileid.u32  }
0x56: {  	s1 =	rddreg [dreg:$0x1];
	p0 =	sne.s32 s2, $0x0  }
0x57: {  	s3 =	rddreg [dreg:$0x2];
	[bflag:$0x3] =	sbarrier.arrive $0xFFFF;
	s2 =	simm.s32 @!p0 $0x1C04  }
0x58: {  	[timem:s3], [sflag:s2] =	dma.local @!p0 [hbm:s0], s1  }
0x59: {  	s0 =	simm.s32 @!p0 $0x4  }
0x5a: {  	_ =	swait.ge @!p0 [sflag:s0], s1  }
0x5b: {  	s1 =	ssub.s32 @!p0 $0x0, s1;
	[sflag:s0] =	ssyncset.done @!p0 $0x0  }
0x5c: {  	[sflag:s0] =	ssyncadd.s32 @!p0 s1  }
0x5d: {  	[bflag:$0x3] =	sbarrier.arrive $0xFFFF  }
0x5e: {  	_ =	shalt  }

// kernel: kernel.8.cloned.1.call-start
scs
__scs_entry_jumppad:
0x0: {  	(pc) =	sbr.rel $0x88, $3  }
0x1: {  	(tag) =	ssettag $0x0;
	lr =	simm.s32 $0x1  }
0x2: {  	[smem:$0x3F97] =	sst lr;
	_ =	strace $0xD0000000  }
0x3: {  	_ = 	snop  }
0x4: {  	_ = 	snop  }
0x5: {  	_ = 	snop  }
0x6: {  	_ = 	snop  }
0x7: {  	_ = 	snop  }
__scs_overlays_trampoline_lowered:
0x8: {  	[smem:$0x3FA6] =	sst s0  }
0x9: {  	[smem:$0x3FA7] =	sst s1  }
0xa: {  	[smem:$0x3FA8] =	sst s2  }
0xb: {  	[smem:$0x3FA9] =	sst s3  }
0xc: {  	[smem:$0x3FAA] =	sst s4  }
0xd: {  	[smem:$0x3FAB] =	sst s5  }
0xe: {  	[smem:$0x3FAC] =	sst s6  }
0xf: {  	[smem:$0x3FAD] =	sst s7  }
0x10: {  	[smem:$0x3FAE] =	sst s8  }
0x11: {  	[smem:$0x3FAF] =	sst s9;
	s0 =	simm.s32 @!p0 $0x0  }
0x12: {  	s1 =	sld [smem:$0x3F95];
	s0 =	simm.s32 @p0 $0x1  }
0x13: {  	[smem:$0x3FB0] =	sst s0;
	s0 =	simm.s32 @!p1 $0x0  }
0x14: {  	s2 =	sld [smem:$0x3F94];
	s0 =	simm.s32 @p1 $0x1  }
0x15: {  	[smem:$0x3FB1] =	sst s0;
	s0 =	simm.s32 @!p2 $0x0  }
0x16: {  	s3 =	sld [smem:$0x3FDB];
	s0 =	simm.s32 @p2 $0x1  }
0x17: {  	s4 =	simm.s32 $0x1BF5;
	[smem:$0x3FB3] =	sst s0  }
0x18: {  	s0 =	sld [smem:$0x3F96];
	_ =	swait.ge [sflag:s4], $0x0  }
0x19: {  	s7 =	sld [smem:$0x3F97]  }
0x1a: {  	s8 =	sadd.s32 $0xFFFFE003, lr  }
0x1b: {  	s9 =	sadd.s32 $0xFFFFFEF7, lr;
	s5 =	simm.s32 $0xFFFFFFFF;
	p2 =	slt.u32 s8, $0xFFFFF086  }
0x1c: {  	p1 =	slt.u32 s9, $0xF7A;
	s5 =	simm.s32 @!p2 $0x0  }
0x1d: {  	s5 =	simm.s32 @p1 $0x1;
	p0 =	seq.s32 s7, s2  }
0x1e: {  	s7 =	smul.u32 @!p0 $0xF7A, s2;
	p2 =	seq.s32 @!p0 s5, $0x0  }
0x1f: {  	s9 =	smul.u32 $0xF7A, s1;
	s8 =	simm.s32 @!p0 $0x1BF5;
	p2 =	por !p2, p0  }
0x20: {  	[sflag:s8] =	ssyncset.s32 @!p0 $0xFFFFF086;
	s6 =	sadd.s32 @!p0 s3, s7;
	s7 =	simm.s32 @!p0 $0x108  }
0x21: {  	s3 =	sadd.s32 s3, s9;
	s6 =	sadd.s32 @!p0 $0x88, s6;
	s7 =	simm.s32 @p2 $0x1082  }
0x22: {  	[simem:s7], [sflag:s8] =	dma.local @!p0 [hbm:s6], $0xF7A  }
0x23: {  	s9 =	sor.u32 $0xD0000000, s2;
	s6 =	simm.s32 $0x108;
	_ =	swait.ge @!p0 [sflag:s8], $0x0  }
0x24: {  	s3 =	sadd.s32 $0x88, s3;
	s6 =	simm.s32 @!p1 $0x1082;
	[sflag:s4] =	ssyncset.s32 $0xFFFFF086  }
0x25: {  	[simem:s6], [sflag:s4] =	dma.local [hbm:s3], $0xF7A  }
0x26: {  	[smem:$0x3F97] =	sst s1;
	(tag) =	ssettag s2;
	_ =	strace s9  }
0x27: {  	s1 =	sld [smem:$0x3FA7]  }
0x28: {  	s2 =	sld [smem:$0x3FA8]  }
0x29: {  	s4 =	sld [smem:$0x3FAA]  }
0x2a: {  	p0 =	seq.s32 s5, $0x0;
	s5 =	sld [smem:$0x3FAB]  }
0x2b: {  	s6 =	sld [smem:$0x3FAC]  }
0x2c: {  	s7 =	sld [smem:$0x3FAD]  }
0x2d: {  	s3 =	simm.s32 $0x108;
	s8 =	sld [smem:$0x3FAE]  }
0x2e: {  	s3 =	simm.s32 @!p0 $0x1082;
	s9 =	sld [smem:$0x3FAF]  }
0x2f: {  	lr =	sadd.s32 s0, s3;
	s0 =	sld [smem:$0x3FA6]  }
0x30: {  	s3 =	sld [smem:$0x3FA9]  }
0x31: {  	[smem:$0x3FB2] =	sst s10  }
0x32: {  	s10 =	sld [smem:$0x3FB0];
	_ =	sdelay $0x3  }
0x33: {  	p0 =	seq.s32 s10, $0x1;
	s10 =	sld [smem:$0x3FB2];
	_ =	sdelay $0x3  }
0x34: {  	[smem:$0x3FB2] =	sst s10  }
0x35: {  	s10 =	sld [smem:$0x3FB1];
	_ =	sdelay $0x3  }
0x36: {  	p1 =	seq.s32 s10, $0x1;
	s10 =	sld [smem:$0x3FB2];
	_ =	sdelay $0x3  }
0x37: {  	[smem:$0x3FB2] =	sst s10  }
0x38: {  	s10 =	sld [smem:$0x3FB3]  }
0x39: {  	_ = 	snop;
	(pc) =	sbr.ind lr, $3  }
0x3a: {  	_ = 	snop  }
0x3b: {  	_ = 	snop  }
0x3c: {  	p2 =	seq.s32 s10, $0x1;
	s10 =	sld [smem:$0x3FB2]  }
0x3d: {  	_ =	shalt  }
0x3e: {  	_ =	shalt  }
0x3f: {  	_ =	shalt  }
0x40: {  	_ =	shalt  }
0x41: {  	_ =	shalt  }
0x42: {  	_ =	shalt  }
0x43: {  	_ =	shalt  }
0x44: {  	_ =	shalt  }
0x45: {  	_ =	shalt  }
0x46: {  	_ =	shalt  }
0x47: {  	_ =	shalt  }
0x48: {  	_ =	shalt  }
0x49: {  	_ =	shalt  }
0x4a: {  	_ =	shalt  }
0x4b: {  	_ =	shalt  }
0x4c: {  	_ =	shalt  }
0x4d: {  	_ =	shalt  }
0x4e: {  	_ =	shalt  }
0x4f: {  	_ =	shalt  }
0x50: {  	_ =	shalt  }
0x51: {  	_ =	shalt  }
0x52: {  	_ =	shalt  }
0x53: {  	_ =	shalt  }
0x54: {  	_ =	shalt  }
0x55: {  	_ =	shalt  }
0x56: {  	_ =	shalt  }
0x57: {  	_ =	shalt  }
0x58: {  	_ =	shalt  }
0x59: {  	_ =	shalt  }
0x5a: {  	_ =	shalt  }
0x5b: {  	_ =	shalt  }
0x5c: {  	_ =	shalt  }
0x5d: {  	_ =	shalt  }
0x5e: {  	_ =	shalt  }
0x5f: {  	_ =	shalt  }
0x60: {  	_ =	shalt  }
0x61: {  	_ =	shalt  }
0x62: {  	_ =	shalt  }
0x63: {  	_ =	shalt  }
0x64: {  	_ =	shalt  }
0x65: {  	_ =	shalt  }
0x66: {  	_ =	shalt  }
0x67: {  	_ =	shalt  }
0x68: {  	_ =	shalt  }
0x69: {  	_ =	shalt  }
0x6a: {  	_ =	shalt  }
0x6b: {  	_ =	shalt  }
0x6c: {  	_ =	shalt  }
0x6d: {  	_ =	shalt  }
0x6e: {  	_ =	shalt  }
0x6f: {  	_ =	shalt  }
0x70: {  	_ =	shalt  }
0x71: {  	_ =	shalt  }
0x72: {  	_ =	shalt  }
0x73: {  	_ =	shalt  }
0x74: {  	_ =	shalt  }
0x75: {  	_ =	shalt  }
0x76: {  	_ =	shalt  }
0x77: {  	_ =	shalt  }
0x78: {  	_ =	shalt  }
0x79: {  	_ =	shalt  }
0x7a: {  	_ =	shalt  }
0x7b: {  	_ =	shalt  }
0x7c: {  	_ =	shalt  }
0x7d: {  	_ =	shalt  }
0x7e: {  	_ =	shalt  }
0x7f: {  	_ =	shalt  }
0x80: {  	_ =	shalt  }
0x81: {  	_ =	shalt  }
0x82: {  	_ =	shalt  }
0x83: {  	_ =	shalt  }
0x84: {  	_ =	shalt  }
0x85: {  	_ =	shalt  }
0x86: {  	_ =	shalt  }
0x87: {  	_ =	shalt  }
.Lfunc_end0:
.L_simem_size_0:
called_computation_lowered:
.L_overlay_start_0:
0x88: {  	s2 =	sld [smem:$0x3FD9]  }
0x89: {  	s3 =	sld [smem:$0x3FFE];
	_ =	sdelay $0x1  }
0x8a: {  	s1 =	srdreg.scid  }
0x8b: {  	s0 =	sand.u32 $0x1, s1  }
0x8c: {  	s16 =	sshll.u32 s0, $0xA;
	s2 =	sadd.s32 s3, s2  }
0x8d: {  	s2 =	sadd.s32 s2, s16  }
0x8e: {  	[smem:$0x3FBE] =	sst s2  }
0x8f: {  	_ = 	snop  }
0x90: {  	(tm) =	ssettm $0x1  }
0x91: {  	s17 =	sld [smem:$0x3FFB];
	_ =	sdelay $0x3  }
0x92: {  	_ =	strace s17  }
0x93: {  	s2 =	sld [smem:$0x3FFC];
	_ =	sdelay $0x3  }
0x94: {  	_ =	strace s2  }
0x95: {  	s2 =	sld [smem:$0x3FFD];
	_ =	sdelay $0x3  }
0x96: {  	_ =	strace s2  }
0x97: {  	_ =	strace $0x8FFFFFFF  }
0x98: {  	s18 =	sld [smem:$0x3FDB];
	_ =	sdelay $0x1  }
0x99: {  	s19 =	simm.s32 $_scs_section_size  }
0x9a: {  	s4 =	simm.s32 $_size__tile_overlayer_lowered;
	s5 =	simm.s32 $_tile_overlayer_lowered  }
0x9b: {  	s22 =	simm.s32 $0x1BFF;
	s21 =	sshll.u32 s5, $0x1;
	s2 =	sadd.s32 s19, s18  }
0x9c: {  	s6 =	simm.s32 $0x0;
	s20 =	sshll.u32 s4, $0x1;
	s4 =	sadd.s32 s21, s2  }
0x9d: {  	[timem:s6], [sflag:s22] =	dma.local [hbm:s4], s20  }
0x9e: {  	_ =	swait.ge [sflag:s22], s20  }
0x9f: {  	s3 =	ssub.s32 $0x0, s20;
	[sflag:s22] =	ssyncset.done $0x0  }
0xa0: {  	[sflag:s22] =	ssyncadd.s32 s3;
	_ =	sdelay $0x1  }
0xa1: {  	s23 =	simm.s32 $0x1B8B  }
0xa2: {  	_ =	swait.ge [sflag:s23], $0x1  }
0xa3: {  	[sflag:s23] =	ssyncset.done $0x0  }
0xa4: {  	s25 =	simm.s32 $0x1B8E;
	s24 =	sld [smem:$0x3FFE];
	[sflag:s23] =	ssyncadd.s32 $0xFFFFFFFF  }
0xa5: {  	s26 =	simm.s32 $execute0_lowered;
	[smem:$0x3FD2] =	sst s25  }
0xa6: {  	s4 =	sshll.u32 s26, $0x1;
	_ =	strace $0x80000046;
	[dreg:$0x1] =	wrdreg $0xFFFFFFFF  }
0xa7: {  	s28 =	simm.s32 $_size_execute0_lowered;
	s2 =	sadd.s32 s2, s4;
	[dreg:$0x0] =	wrdreg $0x0  }
0xa8: {  	s4 =	sshll.u32 s28, $0x1;
	[dreg:$0x2] =	wrdreg s2  }
0xa9: {  	[dreg:$0x3] =	wrdreg s4  }
0xaa: {  	[dreg:$0x4] =	wrdreg $0xC0  }
0xab: {  	_ =	task [dreg:s6], $0x5FFFF  }
0xac: {  	[dreg:$0x1] =	wrdreg $0xFFFFFFFF  }
0xad: {  	[dreg:$0x0] =	wrdreg $0x60  }
0xae: {  	[dreg:$0x2] =	wrdreg s24  }
0xaf: {  	[dreg:$0x3] =	wrdreg $0x68000  }
0xb0: {  	[dreg:$0x4] =	wrdreg $0x9  }
0xb1: {  	_ =	task.clear_ibuf [dreg:s6], $0x5FFFF;
	_ =	strace $0x90000046  }
0xb2: {  	s29 =	simm.s32 $0x9;
	_ =	strace $0x80000048  }
0xb3: {  	_ =	swait.ge [sflag:s29], $0x1  }
0xb4: {  	[sflag:s29] =	ssyncadd.s32 $0xFFFFFFFF  }
0xb5: {  	_ =	strace $0x90000048  }
0xb6: {  	_ =	sfence  }
0xb7: {  	s30 =	sld [smem:$0x0];
	_ =	sdelay $0x2  }
0xb8: {  	s31 =	sshll.u32 s1, $0xD;
	s1 =	sshrl.u32 s1, $0x2  }
0xb9: {  	s3 =	sand.u32 $0x4000, s31;
	s1 =	sadd.s32 s1, s30  }
0xba: {  	s0 =	sor.u32 s3, s0;
	s1 =	sshll.u32 s1, $0x11  }
0xbb: {  	s0 =	sor.u32 s1, s0  }
0xbc: {  	s0 =	sadd.s32 $0x8F2B, s0  }
0xbd: {  	[sflag:s0] =	ssyncadd.remote.s32 $0x1  }
0xbe: {  	_ =	sfence.sel $0xFFFF  }
0xbf: {  	[dreg:$0x0] =	wrdreg $0xFFFFFFFF;
	(pc) =	sbr.abs _section_cstart, $3  }
0xc0: {  	[dreg:$0x1] =	wrdreg $0xFFFFFFFF  }
0xc1: {  	_ =	task.clear_ibuf [dreg:s6], $0x2FFFF;
	_ =	strace $0x9FFFFFFF  }
0xc2: {  	(tm) =	ssettm $0x7FFFFFFF  }
0xc3: {  	_ =	shalt  }
tec
execute0_lowered:
.L_overlay_start_1:
0x0: {  	(tag) =	ssettag $0x1  }
0x1: {  	s6 =	rddreg [dreg:$0x0];
	s0 =	stileid.u32  }
0x2: {  	s1 =	srdreg.scid;
	s2 =	rddreg [dreg:$0x1];
	s3 =	simm.s32 $0x0  }
0x3: {  	s13 =	simm.s32 $0x80;
	s14 =	simm.s32 $0x1;
	s4 =	smul.u32 $0x500, s0  }
0x4: {  	s5 =	sand.u32 $0x1, s1;
	s1 =	rddreg [dreg:$0x2];
	s8 =	smul.u32 $0x14000, s0  }
0x5: {  	s15 =	simm.s32 $0x0;
	[smem:$0x7FF] =	sst s3;
	s10 =	smul.u32 $0x50000, s0  }
0x6: {  	s31 =	sshll.u32 s0, $0x6;
	s7 =	smul.u32 $0x140000, s5;
	_ =	strace $0x80000047  }
0x7: {  	s30 =	ssub.s32 $0x2, s5;
	s5 =	sadd.s32 $0x7800, s6;
	s9 =	sadd.s32 s4, s6  }
0x8: {  	s4 =	sadd.s32 $0xA000, s6;
	s11 =	sshrl.u32 s30, $0x1;
	s10 =	sshrl.u32 s10, $0x2  }
0x9: {  	s7 =	sadd.s32 s8, s7;
	s8 =	ssub.s32 s30, s11;
	s12 =	sadd.s32 s10, s2  }
0xa: {  	s10 =	simm.s32 $0x2800;
	s11 =	sor.u32 $0x1C02, s31;
	s7 =	sshrl.u32 s7, $0x3  }
0xb: {  	s8 =	smax.u32 s8, $0x1;
	s12 =	sshrl.u32 s12, $0x3;
	s7 =	sadd.s32 s7, s6  }
0xc: {  	s6 =	sadd.s32 $0x2800, s9;
	s9 =	simm.s32 $0x2;
	s7 =	sadd.s32 $0xA800, s7  }
.LBB2_1:
0xd: {  	[tilespmem:s3], [sflag:$0x2] =	stream.linear.gather [hbm4b:s6+s3], $0x2780, $0x38;
	[tilespmem:$0x1A800] =	vst v63  }
0xe: {  	_ =	swait.ge [sflag:s9], $0x2780  }
0xf: {  	[sflag:s9] =	ssyncset.done $0x0  }
0x10: {  	[sflag:s9] =	ssyncadd.s32 $0xFFFFD880  }
0x11: {  	[tilespmem:s10], [sflag:$0x2] =	stream.linear.gather [hbm4b:s4+s3], $0x4000, $0x38;
	[tilespmem:$0x1A800] =	vst v63  }
0x12: {  	_ =	swait.ge [sflag:s9], $0x4000  }
0x13: {  	[sflag:s9] =	ssyncset.done $0x0  }
0x14: {  	[sflag:s9] =	ssyncadd.s32 $0xFFFFC000  }
0x15: {  	[spmem:s12], [sflag:s11] =	dma.local [hbm:s5], $0x2800  }
0x16: {  	_ =	swait.ge [sflag:s9], $0x2800  }
0x17: {  	[sflag:s9] =	ssyncset.done $0x0  }
0x18: {  	[sflag:s9] =	ssyncadd.s32 $0xFFFFD800  }
0x19: {  	s16 =	simm.s32 $0x0;
	[bflag:$0x0] =	sbarrier.arrive $0xFFFF  }
.LBB2_2:
0x1a: {  	p0 =	sne.s32 s16, $0x9C00  }
.Ltmp0:
0x1b: {  	_ = 	snop;
	(pc) =	sbr.rel @p0 .LBB2_2-.Ltmp0, $3  }
0x1c: {  	_ =	sdelay $0x1  }
0x1d: {  	s17 =	sshra.s32 s16, $0x2;
	s16 =	sadd.s32 $0x200, s16  }
0x1e: {  	[spmem:s2] =	stream.indirect.scatter.add.f32 [tilespmem:s10], [sflag:$0x1], $0x80, s17, s13, $0xb8;
	[tilespmem:$0x1A800] =	vst v63  }
0x1f: {  	_ =	swait.ge [sflag:s14], $0x4000  }
0x20: {  	s16 =	simm.s32 $0x4E;
	[sflag:s14] =	ssyncset.done $0x0  }
.LBB2_4:
0x21: {  	p0 =	sne.s32 s16, $0x1;
	s16 =	sadd.s32 $0xFFFFFFFF, s16;
	[sflag:s14] =	ssyncadd.s32 $0xFFFFC000  }
.Ltmp1:
0x22: {  	(pc) =	sbr.rel @p0 .LBB2_4-.Ltmp1, $3  }
0x23: {  	_ =	sdelay $0x1  }
0x24: {  	_ =	swait.ge [sflag:s14], $0x4000  }
0x25: {  	[sflag:s14] =	ssyncset.done $0x0  }
0x26: {  	s15 =	sadd.s32 $0x1, s15  }
0x27: {  	[sflag:s14] =	ssyncadd.s32 $0xFFFFC000;
	p0 =	sne.s32 s15, s8  }
.Ltmp2:
0x28: {  	[bflag:$0x0] =	sbarrier.arrive $0xFFFF;
	(pc) =	sbr.rel @p0 .LBB2_1-.Ltmp2, $4  }
0x29: {  	[hbm:s7], [sflag:s11] =	dma.local [spmem:s12], $0x2800  }
0x2a: {  	_ =	swait.ge [sflag:s9], $0x2800  }
0x2b: {  	[sflag:s9] =	ssyncset.done $0x0  }
0x2c: {  	[sflag:s9] =	ssyncadd.s32 $0xFFFFD800  }
0x2d: {  	_ =	sfence.sel $0x180000  }
0x2e: {  	[bflag:$0x0] =	sbarrier.arrive $0xFFFF  }
0x2f: {  	p0 =	sne.s32 s0, $0x0;
	_ =	strace $0x90000047  }
0x30: {  	s0 =	sadd.s32 @!p0 $0x100000, s1;
	[bflag:$0x2] =	sbarrier.arrive $0xFFFF  }
0x31: {  	[sflag:s0] =	ssyncadd.tile.s32 @!p0 $0x1;
	_ =	shalt  }
.Lfunc_end2:
_tile_overlayer_lowered:
.L_overlay_start_2:
0x32: {  	(tag) =	ssettag $0x2  }
0x33: {  	s0 =	rddreg [dreg:$0x0];
	s2 =	stileid.u32  }
0x34: {  	s1 =	rddreg [dreg:$0x1];
	p0 =	sne.s32 s2, $0x0  }
0x35: {  	s3 =	rddreg [dreg:$0x2];
	[bflag:$0x3] =	sbarrier.arrive $0xFFFF;
	s2 =	simm.s32 @!p0 $0x1C02  }
0x36: {  	[timem:s3], [sflag:s2] =	dma.local @!p0 [hbm:s0], s1  }
0x37: {  	s0 =	simm.s32 @!p0 $0x2  }
0x38: {  	_ =	swait.ge @!p0 [sflag:s0], s1  }
0x39: {  	s1 =	ssub.s32 @!p0 $0x0, s1;
	[sflag:s0] =	ssyncset.done @!p0 $0x0  }
0x3a: {  	[sflag:s0] =	ssyncadd.s32 @!p0 s1  }
0x3b: {  	[bflag:$0x3] =	sbarrier.arrive $0xFFFF  }
0x3c: {  	_ =	shalt  }

</sc_bundles>
